<compile_context>
chip_gen: v7x
topology: tpu7x:2x2x1
jax: 0.10.2.dev20260603
libtpu: 0.0.44.dev20260713+nightly
codegen_flags: <defaults>
</compile_context>

<pallas_src>
import functools

import jax
import jax.numpy as jnp
from jax import lax
from jax.experimental import pallas as pl
from jax.experimental.pallas import tpu as pltpu
from jax.experimental.pallas import tpu_sc as plsc

_NUM_CORES = 2
_NUM_SUBCORES = 16
_NUM_WORKERS = _NUM_CORES * _NUM_SUBCORES

_CHUNK = 8
_NBUF = 6


@functools.lru_cache(maxsize=None)
def _make_gather(n_total: int, vocab: int, d: int):
  n_per_w = n_total // _NUM_WORKERS
  chunks = n_per_w // _CHUNK
  assert chunks * _CHUNK == n_per_w and chunks >= _NBUF

  mesh = plsc.VectorSubcoreMesh(core_axis_name="c", subcore_axis_name="s")

  row_bufs = [pltpu.VMEM((_CHUNK, d), jnp.float32) for _ in range(_NBUF)]
  gsem_types = [pltpu.SemaphoreType.DMA for _ in range(_NBUF)]
  ssem_types = [pltpu.SemaphoreType.DMA for _ in range(_NBUF)]

  @functools.partial(
      pl.kernel,
      out_type=jax.ShapeDtypeStruct((n_total, d), jnp.float32),
      mesh=mesh,
      scratch_types=[pltpu.VMEM((n_per_w,), jnp.int32)]
      + row_bufs + gsem_types + ssem_types,
  )
  def gather_kernel(ids_hbm, table_hbm, out_hbm, idx_v, *scratch):
    bufs = scratch[:_NBUF]
    gsems = scratch[_NBUF:2 * _NBUF]
    ssems = scratch[2 * _NBUF:]

    wid = lax.axis_index("s") * _NUM_CORES + lax.axis_index("c")
    base = wid * n_per_w
    pltpu.sync_copy(ids_hbm.at[pl.ds(base, n_per_w)], idx_v)

    def start_gather(g, b):
      off = pl.multiple_of(g * _CHUNK, 8)
      pltpu.async_copy(table_hbm.at[idx_v.at[pl.ds(off, _CHUNK)]],
                       bufs[b], gsems[b])

    def wait_gather(b):
      pltpu.make_async_copy(
          table_hbm.at[idx_v.at[pl.ds(0, _CHUNK)]], bufs[b], gsems[b]
      ).wait()

    def start_store(g, b):
      row = pl.multiple_of(base + g * _CHUNK, 8)
      pltpu.async_copy(bufs[b], out_hbm.at[pl.ds(row, _CHUNK)], ssems[b])

    def wait_store(b):
      pltpu.make_async_copy(
          bufs[b], out_hbm.at[pl.ds(base, _CHUNK)], ssems[b]).wait()

    for g in range(_NBUF - 1):
      start_gather(g, g)

    n_outer = (chunks + _NBUF - 1) // _NBUF

    def body(i, carry):
      del carry
      for b in range(_NBUF):
        g = i * _NBUF + b
        nxt = g + _NBUF - 1
        pb = (b + _NBUF - 1) % _NBUF

        @pl.when(g < chunks)
        def _():
          wait_gather(b)
          start_store(g, b)

          @pl.when((nxt < chunks) & (g >= 1))
          def _():
            wait_store(pb)

          @pl.when(nxt < chunks)
          def _():
            start_gather(nxt, pb)

      return 0

    lax.fori_loop(0, n_outer, body, 0, unroll=1)
    for b in range(_NBUF):
      wait_store(b)

  return gather_kernel


def kernel(input_ids, embed_tokens):
  b, s = input_ids.shape
  v, d = embed_tokens.shape
  n = b * s
  flat_ids = input_ids.reshape(n)
  out = _make_gather(n, v, d)(flat_ids, embed_tokens)
  return out.reshape(b, s, d)

# --- scband reference (transcript-rebuilt; emitter-appended) ---
"""Pipeline reference for scband-llama-embedding-6863357739636 (READ-ONLY COPY).

The authoritative reference and input builder live on the scoring server;
editing this copy changes nothing except your own understanding.
"""

import jax, jax.numpy as jnp
import numpy as np

VOCAB = 100000
HIDDEN = 2048
BATCH = 4
SEQ = 4096
PAD_IDX = 0


def setup_inputs(seed: int = 0) -> dict:
    key = jax.random.key(seed)
    k_idx, k_tab = jax.random.split(key)
    input_ids = jax.random.randint(k_idx, (BATCH, SEQ), 0, VOCAB, dtype=jnp.int32)
    embed_tokens = jax.random.normal(k_tab, (VOCAB, HIDDEN), dtype=jnp.float32)
    # nn.Embedding with padding_idx zero-initializes that row's output only via
    # the stored weight; torch does NOT force the row to zero at init unless
    # reset, but the default init does zero the padding row. Replicate that.
    embed_tokens = embed_tokens.at[PAD_IDX].set(0.0)
    return {"input_ids": input_ids, "embed_tokens": embed_tokens}


def reference(input_ids, embed_tokens):
    # Faithful to nn.Embedding forward: pure row gather from the table.
    return jnp.take(embed_tokens, input_ids, axis=0)

if __name__ == "__main__":
    import jax
    _d = setup_inputs()
    print(jax.jit(kernel)(*tuple(_d.values())))

</pallas_src>

<mosaic_0001>
#map = affine_map<(d0, d1) -> (0)>
#map1 = affine_map<(d0, d1) -> (0, 0)>
module attributes {stable_mosaic.version = 14 : i64} {
  func.func @gather_kernel(%arg0: i32, %arg1: i32, %arg2: memref<16384xi32, #tpu.memory_space<hbm>>, %arg3: memref<100000x2048xf32, #tpu.memory_space<hbm>>, %arg4: memref<16384x2048xf32, #tpu.memory_space<hbm>>, %arg5: memref<512xi32, #tpu.memory_space<vmem>>, %arg6: memref<8x2048xf32, #tpu.memory_space<vmem>>, %arg7: memref<8x2048xf32, #tpu.memory_space<vmem>>, %arg8: memref<8x2048xf32, #tpu.memory_space<vmem>>, %arg9: memref<8x2048xf32, #tpu.memory_space<vmem>>, %arg10: memref<8x2048xf32, #tpu.memory_space<vmem>>, %arg11: memref<8x2048xf32, #tpu.memory_space<vmem>>, %arg12: memref<!tpu.dma_semaphore, #tpu.memory_space<semaphore_mem>>, %arg13: memref<!tpu.dma_semaphore, #tpu.memory_space<semaphore_mem>>, %arg14: memref<!tpu.dma_semaphore, #tpu.memory_space<semaphore_mem>>, %arg15: memref<!tpu.dma_semaphore, #tpu.memory_space<semaphore_mem>>, %arg16: memref<!tpu.dma_semaphore, #tpu.memory_space<semaphore_mem>>, %arg17: memref<!tpu.dma_semaphore, #tpu.memory_space<semaphore_mem>>, %arg18: memref<!tpu.dma_semaphore, #tpu.memory_space<semaphore_mem>>, %arg19: memref<!tpu.dma_semaphore, #tpu.memory_space<semaphore_mem>>, %arg20: memref<!tpu.dma_semaphore, #tpu.memory_space<semaphore_mem>>, %arg21: memref<!tpu.dma_semaphore, #tpu.memory_space<semaphore_mem>>, %arg22: memref<!tpu.dma_semaphore, #tpu.memory_space<semaphore_mem>>, %arg23: memref<!tpu.dma_semaphore, #tpu.memory_space<semaphore_mem>>) attributes {dimension_semantics = [#tpu.dimension_semantics<core_parallel>, #tpu.dimension_semantics<subcore_parallel>], iteration_bounds = array<i64: 2, 16>, scalar_prefetch = 0 : i64, scratch_operands = 19 : i64, tpu.core_type = #tpu.core_type<sc_vector_subcore>, window_params = [{transform_indices = #map}, {transform_indices = #map1}, {transform_indices = #map1}]} {
    %mul3A = arith.constant 2 : i32
    %mul3A_0 = arith.muli %arg1, %mul3A : i32
    %add3A = arith.addi %mul3A_0, %arg0 : i32
    %mul3A_1 = arith.constant 512 : i32
    %mul3A_2 = arith.muli %add3A, %mul3A_1 : i32
    "tpu.region"() ({
      %run_scoped3A = tpu.sem_alloc : memref<!tpu.dma_semaphore, #tpu.memory_space<semaphore_mem>>
      %dma_start3A_60 = tpu.memref_slice %arg2[%mul3A_2] : memref<16384xi32, #tpu.memory_space<hbm>> -> memref<512xi32, #tpu.memory_space<hbm>>
      %dma_start3A_61 = tpu.memref_slice %arg2[%mul3A_2] : memref<16384xi32, #tpu.memory_space<hbm>> -> memref<512xi32, #tpu.memory_space<hbm>>
      tpu.enqueue_dma source(%dma_start3A_61 : memref<512xi32, #tpu.memory_space<hbm>>) target(%arg5 : memref<512xi32, #tpu.memory_space<vmem>>) target_semaphore(%run_scoped3A : memref<!tpu.dma_semaphore, #tpu.memory_space<semaphore_mem>>)
      %dma_wait3A_62 = tpu.memref_slice %arg2[%mul3A_2] : memref<16384xi32, #tpu.memory_space<hbm>> -> memref<512xi32, #tpu.memory_space<hbm>>
      %dma_wait3A_63 = tpu.memref_slice %arg2[%mul3A_2] : memref<16384xi32, #tpu.memory_space<hbm>> -> memref<512xi32, #tpu.memory_space<hbm>>
      tpu.wait_dma2 semaphore(%run_scoped3A : memref<!tpu.dma_semaphore, #tpu.memory_space<semaphore_mem>>) src(%dma_wait3A_63 : memref<512xi32, #tpu.memory_space<hbm>>) dst(%arg5 : memref<512xi32, #tpu.memory_space<vmem>>)
      tpu.yield
    }) : () -> ()
    %multiple_of3A = arith.constant 0 : i32
    %multiple_of3A_3 = tpu.assume_multiple %multiple_of3A, 8 : i32
    %dma_start3A = tpu.memref_slice %arg5[%multiple_of3A_3] : memref<512xi32, #tpu.memory_space<vmem>> -> memref<8xi32, #tpu.memory_space<vmem>>
    %dma_start3A_4 = arith.constant 0 : i32
    %dma_start3A_5 = arith.constant 0 : i32
    %dma_start3A_6 = tpu.memref_slice %arg3[%dma_start3A_4, %dma_start3A_5] : memref<100000x2048xf32, #tpu.memory_space<hbm>> -> memref<100000x2048xf32, #tpu.memory_space<hbm>>
    tpu.enqueue_indirect_dma source(%dma_start3A_6 : memref<100000x2048xf32, #tpu.memory_space<hbm>>) target(%arg6 : memref<8x2048xf32, #tpu.memory_space<vmem>>) offsets(%dma_start3A : memref<8xi32, #tpu.memory_space<vmem>>) semaphore(%arg12 : memref<!tpu.dma_semaphore, #tpu.memory_space<semaphore_mem>>)
    %multiple_of3A_7 = arith.constant 8 : i32
    %multiple_of3A_8 = tpu.assume_multiple %multiple_of3A_7, 8 : i32
    %dma_start3A_9 = tpu.memref_slice %arg5[%multiple_of3A_8] : memref<512xi32, #tpu.memory_space<vmem>> -> memref<8xi32, #tpu.memory_space<vmem>>
    %dma_start3A_10 = arith.constant 0 : i32
    %dma_start3A_11 = arith.constant 0 : i32
    %dma_start3A_12 = tpu.memref_slice %arg3[%dma_start3A_10, %dma_start3A_11] : memref<100000x2048xf32, #tpu.memory_space<hbm>> -> memref<100000x2048xf32, #tpu.memory_space<hbm>>
    tpu.enqueue_indirect_dma source(%dma_start3A_12 : memref<100000x2048xf32, #tpu.memory_space<hbm>>) target(%arg7 : memref<8x2048xf32, #tpu.memory_space<vmem>>) offsets(%dma_start3A_9 : memref<8xi32, #tpu.memory_space<vmem>>) semaphore(%arg13 : memref<!tpu.dma_semaphore, #tpu.memory_space<semaphore_mem>>)
    %multiple_of3A_13 = arith.constant 16 : i32
    %multiple_of3A_14 = tpu.assume_multiple %multiple_of3A_13, 8 : i32
    %dma_start3A_15 = tpu.memref_slice %arg5[%multiple_of3A_14] : memref<512xi32, #tpu.memory_space<vmem>> -> memref<8xi32, #tpu.memory_space<vmem>>
    %dma_start3A_16 = arith.constant 0 : i32
    %dma_start3A_17 = arith.constant 0 : i32
    %dma_start3A_18 = tpu.memref_slice %arg3[%dma_start3A_16, %dma_start3A_17] : memref<100000x2048xf32, #tpu.memory_space<hbm>> -> memref<100000x2048xf32, #tpu.memory_space<hbm>>
    tpu.enqueue_indirect_dma source(%dma_start3A_18 : memref<100000x2048xf32, #tpu.memory_space<hbm>>) target(%arg8 : memref<8x2048xf32, #tpu.memory_space<vmem>>) offsets(%dma_start3A_15 : memref<8xi32, #tpu.memory_space<vmem>>) semaphore(%arg14 : memref<!tpu.dma_semaphore, #tpu.memory_space<semaphore_mem>>)
    %multiple_of3A_19 = arith.constant 24 : i32
    %multiple_of3A_20 = tpu.assume_multiple %multiple_of3A_19, 8 : i32
    %dma_start3A_21 = tpu.memref_slice %arg5[%multiple_of3A_20] : memref<512xi32, #tpu.memory_space<vmem>> -> memref<8xi32, #tpu.memory_space<vmem>>
    %dma_start3A_22 = arith.constant 0 : i32
    %dma_start3A_23 = arith.constant 0 : i32
    %dma_start3A_24 = tpu.memref_slice %arg3[%dma_start3A_22, %dma_start3A_23] : memref<100000x2048xf32, #tpu.memory_space<hbm>> -> memref<100000x2048xf32, #tpu.memory_space<hbm>>
    tpu.enqueue_indirect_dma source(%dma_start3A_24 : memref<100000x2048xf32, #tpu.memory_space<hbm>>) target(%arg9 : memref<8x2048xf32, #tpu.memory_space<vmem>>) offsets(%dma_start3A_21 : memref<8xi32, #tpu.memory_space<vmem>>) semaphore(%arg15 : memref<!tpu.dma_semaphore, #tpu.memory_space<semaphore_mem>>)
    %multiple_of3A_25 = arith.constant 32 : i32
    %multiple_of3A_26 = tpu.assume_multiple %multiple_of3A_25, 8 : i32
    %dma_start3A_27 = tpu.memref_slice %arg5[%multiple_of3A_26] : memref<512xi32, #tpu.memory_space<vmem>> -> memref<8xi32, #tpu.memory_space<vmem>>
    %dma_start3A_28 = arith.constant 0 : i32
    %dma_start3A_29 = arith.constant 0 : i32
    %dma_start3A_30 = tpu.memref_slice %arg3[%dma_start3A_28, %dma_start3A_29] : memref<100000x2048xf32, #tpu.memory_space<hbm>> -> memref<100000x2048xf32, #tpu.memory_space<hbm>>
    tpu.enqueue_indirect_dma source(%dma_start3A_30 : memref<100000x2048xf32, #tpu.memory_space<hbm>>) target(%arg10 : memref<8x2048xf32, #tpu.memory_space<vmem>>) offsets(%dma_start3A_27 : memref<8xi32, #tpu.memory_space<vmem>>) semaphore(%arg16 : memref<!tpu.dma_semaphore, #tpu.memory_space<semaphore_mem>>)
    %scan3A = arith.constant 0 : i32
    %scan3A_31 = arith.constant 0 : i32
    %scan3A_32 = arith.constant 11 : i32
    %scan3A_33 = arith.addi %scan3A_31, %scan3A_32 : i32
    %scan3A_34 = arith.constant 1 : i32
    %scan3A_35 = scf.for %scan3A_60 = %scan3A_31 to %scan3A_33 step %scan3A_34 iter_args(%scan3A_61 = %scan3A) -> (i32)  : i32 {
      %mul3A_62 = arith.constant 6 : i32
      %mul3A_63 = arith.muli %scan3A_60, %mul3A_62 : i32
      %add3A_64 = arith.constant 0 : i32
      %add3A_65 = arith.addi %mul3A_63, %add3A_64 : i32
      %add3A_66 = arith.constant 6 : i32
      %add3A_67 = arith.addi %add3A_65, %add3A_66 : i32
      %sub3A = arith.constant 1 : i32
      %sub3A_68 = arith.subi %add3A_67, %sub3A : i32
      %lt3A = arith.constant 64 : i32
      %lt3A_69 = arith.cmpi slt, %add3A_65, %lt3A : i32
      %convert_element_type3A = arith.extui %lt3A_69 : i1 to i32
      %cond3A = arith.constant 0 : i32
      %cond3A_70 = arith.cmpi ne, %convert_element_type3A, %cond3A : i32
      scf.if %cond3A_70 {
        %dma_wait3A_137 = arith.constant 0 : i32
        %dma_wait3A_138 = tpu.memref_slice %arg5[%dma_wait3A_137] : memref<512xi32, #tpu.memory_space<vmem>> -> memref<8xi32, #tpu.memory_space<vmem>>
        %dma_wait3A_139 = arith.constant 0 : i32
        %dma_wait3A_140 = arith.constant 0 : i32
        %dma_wait3A_141 = tpu.memref_slice %arg3[%dma_wait3A_139, %dma_wait3A_140] : memref<100000x2048xf32, #tpu.memory_space<hbm>> -> memref<100000x2048xf32, #tpu.memory_space<hbm>>
        tpu.wait_indirect_dma semaphore(%arg12 : memref<!tpu.dma_semaphore, #tpu.memory_space<semaphore_mem>>) src(%dma_wait3A_141 : memref<100000x2048xf32, #tpu.memory_space<hbm>>) dst(%arg6 : memref<8x2048xf32, #tpu.memory_space<vmem>>)
        %mul3A_142 = arith.constant 8 : i32
        %mul3A_143 = arith.muli %add3A_65, %mul3A_142 : i32
        %add3A_144 = arith.addi %mul3A_2, %mul3A_143 : i32
        %multiple_of3A_145 = tpu.assume_multiple %add3A_144, 8 : i32
        %dma_start3A_146 = arith.constant 0 : i32
        %dma_start3A_147 = tpu.memref_slice %arg4[%multiple_of3A_145, %dma_start3A_146] : memref<16384x2048xf32, #tpu.memory_space<hbm>> -> memref<8x2048xf32, #tpu.memory_space<hbm>>
        %dma_start3A_148 = arith.constant 0 : i32
        %dma_start3A_149 = tpu.memref_slice %arg4[%multiple_of3A_145, %dma_start3A_148] : memref<16384x2048xf32, #tpu.memory_space<hbm>> -> memref<8x2048xf32, #tpu.memory_space<hbm>>
        tpu.enqueue_dma source(%arg6 : memref<8x2048xf32, #tpu.memory_space<vmem>>) target(%dma_start3A_149 : memref<8x2048xf32, #tpu.memory_space<hbm>>) target_semaphore(%arg18 : memref<!tpu.dma_semaphore, #tpu.memory_space<semaphore_mem>>)
        %lt3A_150 = arith.constant 64 : i32
        %lt3A_151 = arith.cmpi slt, %sub3A_68, %lt3A_150 : i32
        %ge3A = arith.constant 1 : i32
        %ge3A_152 = arith.cmpi sge, %add3A_65, %ge3A : i32
        %and3A = arith.andi %lt3A_151, %ge3A_152 : i1
        %convert_element_type3A_153 = arith.extui %and3A : i1 to i32
        %cond3A_154 = arith.constant 0 : i32
        %cond3A_155 = arith.cmpi ne, %convert_element_type3A_153, %cond3A_154 : i32
        scf.if %cond3A_155 {
          %dma_wait3A_161 = arith.constant 0 : i32
          %dma_wait3A_162 = tpu.memref_slice %arg4[%mul3A_2, %dma_wait3A_161] : memref<16384x2048xf32, #tpu.memory_space<hbm>> -> memref<8x2048xf32, #tpu.memory_space<hbm>>
          %dma_wait3A_163 = arith.constant 0 : i32
          %dma_wait3A_164 = tpu.memref_slice %arg4[%mul3A_2, %dma_wait3A_163] : memref<16384x2048xf32, #tpu.memory_space<hbm>> -> memref<8x2048xf32, #tpu.memory_space<hbm>>
          tpu.wait_dma2 semaphore(%arg23 : memref<!tpu.dma_semaphore, #tpu.memory_space<semaphore_mem>>) src(%arg11 : memref<8x2048xf32, #tpu.memory_space<vmem>>) dst(%dma_wait3A_164 : memref<8x2048xf32, #tpu.memory_space<hbm>>)
        } else {
        }
        %lt3A_156 = arith.constant 64 : i32
        %lt3A_157 = arith.cmpi slt, %sub3A_68, %lt3A_156 : i32
        %convert_element_type3A_158 = arith.extui %lt3A_157 : i1 to i32
        %cond3A_159 = arith.constant 0 : i32
        %cond3A_160 = arith.cmpi ne, %convert_element_type3A_158, %cond3A_159 : i32
        scf.if %cond3A_160 {
          %mul3A_161 = arith.constant 8 : i32
          %mul3A_162 = arith.muli %sub3A_68, %mul3A_161 : i32
          %multiple_of3A_163 = tpu.assume_multiple %mul3A_162, 8 : i32
          %dma_start3A_164 = tpu.memref_slice %arg5[%multiple_of3A_163] : memref<512xi32, #tpu.memory_space<vmem>> -> memref<8xi32, #tpu.memory_space<vmem>>
          %dma_start3A_165 = arith.constant 0 : i32
          %dma_start3A_166 = arith.constant 0 : i32
          %dma_start3A_167 = tpu.memref_slice %arg3[%dma_start3A_165, %dma_start3A_166] : memref<100000x2048xf32, #tpu.memory_space<hbm>> -> memref<100000x2048xf32, #tpu.memory_space<hbm>>
          tpu.enqueue_indirect_dma source(%dma_start3A_167 : memref<100000x2048xf32, #tpu.memory_space<hbm>>) target(%arg11 : memref<8x2048xf32, #tpu.memory_space<vmem>>) offsets(%dma_start3A_164 : memref<8xi32, #tpu.memory_space<vmem>>) semaphore(%arg17 : memref<!tpu.dma_semaphore, #tpu.memory_space<semaphore_mem>>)
        } else {
        }
      } else {
      }
      %mul3A_71 = arith.constant 6 : i32
      %mul3A_72 = arith.muli %scan3A_60, %mul3A_71 : i32
      %add3A_73 = arith.constant 1 : i32
      %add3A_74 = arith.addi %mul3A_72, %add3A_73 : i32
      %add3A_75 = arith.constant 6 : i32
      %add3A_76 = arith.addi %add3A_74, %add3A_75 : i32
      %sub3A_77 = arith.constant 1 : i32
      %sub3A_78 = arith.subi %add3A_76, %sub3A_77 : i32
      %lt3A_79 = arith.constant 64 : i32
      %lt3A_80 = arith.cmpi slt, %add3A_74, %lt3A_79 : i32
      %convert_element_type3A_81 = arith.extui %lt3A_80 : i1 to i32
      %cond3A_82 = arith.constant 0 : i32
      %cond3A_83 = arith.cmpi ne, %convert_element_type3A_81, %cond3A_82 : i32
      scf.if %cond3A_83 {
        %dma_wait3A_137 = arith.constant 0 : i32
        %dma_wait3A_138 = tpu.memref_slice %arg5[%dma_wait3A_137] : memref<512xi32, #tpu.memory_space<vmem>> -> memref<8xi32, #tpu.memory_space<vmem>>
        %dma_wait3A_139 = arith.constant 0 : i32
        %dma_wait3A_140 = arith.constant 0 : i32
        %dma_wait3A_141 = tpu.memref_slice %arg3[%dma_wait3A_139, %dma_wait3A_140] : memref<100000x2048xf32, #tpu.memory_space<hbm>> -> memref<100000x2048xf32, #tpu.memory_space<hbm>>
        tpu.wait_indirect_dma semaphore(%arg13 : memref<!tpu.dma_semaphore, #tpu.memory_space<semaphore_mem>>) src(%dma_wait3A_141 : memref<100000x2048xf32, #tpu.memory_space<hbm>>) dst(%arg7 : memref<8x2048xf32, #tpu.memory_space<vmem>>)
        %mul3A_142 = arith.constant 8 : i32
        %mul3A_143 = arith.muli %add3A_74, %mul3A_142 : i32
        %add3A_144 = arith.addi %mul3A_2, %mul3A_143 : i32
        %multiple_of3A_145 = tpu.assume_multiple %add3A_144, 8 : i32
        %dma_start3A_146 = arith.constant 0 : i32
        %dma_start3A_147 = tpu.memref_slice %arg4[%multiple_of3A_145, %dma_start3A_146] : memref<16384x2048xf32, #tpu.memory_space<hbm>> -> memref<8x2048xf32, #tpu.memory_space<hbm>>
        %dma_start3A_148 = arith.constant 0 : i32
        %dma_start3A_149 = tpu.memref_slice %arg4[%multiple_of3A_145, %dma_start3A_148] : memref<16384x2048xf32, #tpu.memory_space<hbm>> -> memref<8x2048xf32, #tpu.memory_space<hbm>>
        tpu.enqueue_dma source(%arg7 : memref<8x2048xf32, #tpu.memory_space<vmem>>) target(%dma_start3A_149 : memref<8x2048xf32, #tpu.memory_space<hbm>>) target_semaphore(%arg19 : memref<!tpu.dma_semaphore, #tpu.memory_space<semaphore_mem>>)
        %lt3A_150 = arith.constant 64 : i32
        %lt3A_151 = arith.cmpi slt, %sub3A_78, %lt3A_150 : i32
        %ge3A = arith.constant 1 : i32
        %ge3A_152 = arith.cmpi sge, %add3A_74, %ge3A : i32
        %and3A = arith.andi %lt3A_151, %ge3A_152 : i1
        %convert_element_type3A_153 = arith.extui %and3A : i1 to i32
        %cond3A_154 = arith.constant 0 : i32
        %cond3A_155 = arith.cmpi ne, %convert_element_type3A_153, %cond3A_154 : i32
        scf.if %cond3A_155 {
          %dma_wait3A_161 = arith.constant 0 : i32
          %dma_wait3A_162 = tpu.memref_slice %arg4[%mul3A_2, %dma_wait3A_161] : memref<16384x2048xf32, #tpu.memory_space<hbm>> -> memref<8x2048xf32, #tpu.memory_space<hbm>>
          %dma_wait3A_163 = arith.constant 0 : i32
          %dma_wait3A_164 = tpu.memref_slice %arg4[%mul3A_2, %dma_wait3A_163] : memref<16384x2048xf32, #tpu.memory_space<hbm>> -> memref<8x2048xf32, #tpu.memory_space<hbm>>
          tpu.wait_dma2 semaphore(%arg18 : memref<!tpu.dma_semaphore, #tpu.memory_space<semaphore_mem>>) src(%arg6 : memref<8x2048xf32, #tpu.memory_space<vmem>>) dst(%dma_wait3A_164 : memref<8x2048xf32, #tpu.memory_space<hbm>>)
        } else {
        }
        %lt3A_156 = arith.constant 64 : i32
        %lt3A_157 = arith.cmpi slt, %sub3A_78, %lt3A_156 : i32
        %convert_element_type3A_158 = arith.extui %lt3A_157 : i1 to i32
        %cond3A_159 = arith.constant 0 : i32
        %cond3A_160 = arith.cmpi ne, %convert_element_type3A_158, %cond3A_159 : i32
        scf.if %cond3A_160 {
          %mul3A_161 = arith.constant 8 : i32
          %mul3A_162 = arith.muli %sub3A_78, %mul3A_161 : i32
          %multiple_of3A_163 = tpu.assume_multiple %mul3A_162, 8 : i32
          %dma_start3A_164 = tpu.memref_slice %arg5[%multiple_of3A_163] : memref<512xi32, #tpu.memory_space<vmem>> -> memref<8xi32, #tpu.memory_space<vmem>>
          %dma_start3A_165 = arith.constant 0 : i32
          %dma_start3A_166 = arith.constant 0 : i32
          %dma_start3A_167 = tpu.memref_slice %arg3[%dma_start3A_165, %dma_start3A_166] : memref<100000x2048xf32, #tpu.memory_space<hbm>> -> memref<100000x2048xf32, #tpu.memory_space<hbm>>
          tpu.enqueue_indirect_dma source(%dma_start3A_167 : memref<100000x2048xf32, #tpu.memory_space<hbm>>) target(%arg6 : memref<8x2048xf32, #tpu.memory_space<vmem>>) offsets(%dma_start3A_164 : memref<8xi32, #tpu.memory_space<vmem>>) semaphore(%arg12 : memref<!tpu.dma_semaphore, #tpu.memory_space<semaphore_mem>>)
        } else {
        }
      } else {
      }
      %mul3A_84 = arith.constant 6 : i32
      %mul3A_85 = arith.muli %scan3A_60, %mul3A_84 : i32
      %add3A_86 = arith.constant 2 : i32
      %add3A_87 = arith.addi %mul3A_85, %add3A_86 : i32
      %add3A_88 = arith.constant 6 : i32
      %add3A_89 = arith.addi %add3A_87, %add3A_88 : i32
      %sub3A_90 = arith.constant 1 : i32
      %sub3A_91 = arith.subi %add3A_89, %sub3A_90 : i32
      %lt3A_92 = arith.constant 64 : i32
      %lt3A_93 = arith.cmpi slt, %add3A_87, %lt3A_92 : i32
      %convert_element_type3A_94 = arith.extui %lt3A_93 : i1 to i32
      %cond3A_95 = arith.constant 0 : i32
      %cond3A_96 = arith.cmpi ne, %convert_element_type3A_94, %cond3A_95 : i32
      scf.if %cond3A_96 {
        %dma_wait3A_137 = arith.constant 0 : i32
        %dma_wait3A_138 = tpu.memref_slice %arg5[%dma_wait3A_137] : memref<512xi32, #tpu.memory_space<vmem>> -> memref<8xi32, #tpu.memory_space<vmem>>
        %dma_wait3A_139 = arith.constant 0 : i32
        %dma_wait3A_140 = arith.constant 0 : i32
        %dma_wait3A_141 = tpu.memref_slice %arg3[%dma_wait3A_139, %dma_wait3A_140] : memref<100000x2048xf32, #tpu.memory_space<hbm>> -> memref<100000x2048xf32, #tpu.memory_space<hbm>>
        tpu.wait_indirect_dma semaphore(%arg14 : memref<!tpu.dma_semaphore, #tpu.memory_space<semaphore_mem>>) src(%dma_wait3A_141 : memref<100000x2048xf32, #tpu.memory_space<hbm>>) dst(%arg8 : memref<8x2048xf32, #tpu.memory_space<vmem>>)
        %mul3A_142 = arith.constant 8 : i32
        %mul3A_143 = arith.muli %add3A_87, %mul3A_142 : i32
        %add3A_144 = arith.addi %mul3A_2, %mul3A_143 : i32
        %multiple_of3A_145 = tpu.assume_multiple %add3A_144, 8 : i32
        %dma_start3A_146 = arith.constant 0 : i32
        %dma_start3A_147 = tpu.memref_slice %arg4[%multiple_of3A_145, %dma_start3A_146] : memref<16384x2048xf32, #tpu.memory_space<hbm>> -> memref<8x2048xf32, #tpu.memory_space<hbm>>
        %dma_start3A_148 = arith.constant 0 : i32
        %dma_start3A_149 = tpu.memref_slice %arg4[%multiple_of3A_145, %dma_start3A_148] : memref<16384x2048xf32, #tpu.memory_space<hbm>> -> memref<8x2048xf32, #tpu.memory_space<hbm>>
        tpu.enqueue_dma source(%arg8 : memref<8x2048xf32, #tpu.memory_space<vmem>>) target(%dma_start3A_149 : memref<8x2048xf32, #tpu.memory_space<hbm>>) target_semaphore(%arg20 : memref<!tpu.dma_semaphore, #tpu.memory_space<semaphore_mem>>)
        %lt3A_150 = arith.constant 64 : i32
        %lt3A_151 = arith.cmpi slt, %sub3A_91, %lt3A_150 : i32
        %ge3A = arith.constant 1 : i32
        %ge3A_152 = arith.cmpi sge, %add3A_87, %ge3A : i32
        %and3A = arith.andi %lt3A_151, %ge3A_152 : i1
        %convert_element_type3A_153 = arith.extui %and3A : i1 to i32
        %cond3A_154 = arith.constant 0 : i32
        %cond3A_155 = arith.cmpi ne, %convert_element_type3A_153, %cond3A_154 : i32
        scf.if %cond3A_155 {
          %dma_wait3A_161 = arith.constant 0 : i32
          %dma_wait3A_162 = tpu.memref_slice %arg4[%mul3A_2, %dma_wait3A_161] : memref<16384x2048xf32, #tpu.memory_space<hbm>> -> memref<8x2048xf32, #tpu.memory_space<hbm>>
          %dma_wait3A_163 = arith.constant 0 : i32
          %dma_wait3A_164 = tpu.memref_slice %arg4[%mul3A_2, %dma_wait3A_163] : memref<16384x2048xf32, #tpu.memory_space<hbm>> -> memref<8x2048xf32, #tpu.memory_space<hbm>>
          tpu.wait_dma2 semaphore(%arg19 : memref<!tpu.dma_semaphore, #tpu.memory_space<semaphore_mem>>) src(%arg7 : memref<8x2048xf32, #tpu.memory_space<vmem>>) dst(%dma_wait3A_164 : memref<8x2048xf32, #tpu.memory_space<hbm>>)
        } else {
        }
        %lt3A_156 = arith.constant 64 : i32
        %lt3A_157 = arith.cmpi slt, %sub3A_91, %lt3A_156 : i32
        %convert_element_type3A_158 = arith.extui %lt3A_157 : i1 to i32
        %cond3A_159 = arith.constant 0 : i32
        %cond3A_160 = arith.cmpi ne, %convert_element_type3A_158, %cond3A_159 : i32
        scf.if %cond3A_160 {
          %mul3A_161 = arith.constant 8 : i32
          %mul3A_162 = arith.muli %sub3A_91, %mul3A_161 : i32
          %multiple_of3A_163 = tpu.assume_multiple %mul3A_162, 8 : i32
          %dma_start3A_164 = tpu.memref_slice %arg5[%multiple_of3A_163] : memref<512xi32, #tpu.memory_space<vmem>> -> memref<8xi32, #tpu.memory_space<vmem>>
          %dma_start3A_165 = arith.constant 0 : i32
          %dma_start3A_166 = arith.constant 0 : i32
          %dma_start3A_167 = tpu.memref_slice %arg3[%dma_start3A_165, %dma_start3A_166] : memref<100000x2048xf32, #tpu.memory_space<hbm>> -> memref<100000x2048xf32, #tpu.memory_space<hbm>>
          tpu.enqueue_indirect_dma source(%dma_start3A_167 : memref<100000x2048xf32, #tpu.memory_space<hbm>>) target(%arg7 : memref<8x2048xf32, #tpu.memory_space<vmem>>) offsets(%dma_start3A_164 : memref<8xi32, #tpu.memory_space<vmem>>) semaphore(%arg13 : memref<!tpu.dma_semaphore, #tpu.memory_space<semaphore_mem>>)
        } else {
        }
      } else {
      }
      %mul3A_97 = arith.constant 6 : i32
      %mul3A_98 = arith.muli %scan3A_60, %mul3A_97 : i32
      %add3A_99 = arith.constant 3 : i32
      %add3A_100 = arith.addi %mul3A_98, %add3A_99 : i32
      %add3A_101 = arith.constant 6 : i32
      %add3A_102 = arith.addi %add3A_100, %add3A_101 : i32
      %sub3A_103 = arith.constant 1 : i32
      %sub3A_104 = arith.subi %add3A_102, %sub3A_103 : i32
      %lt3A_105 = arith.constant 64 : i32
      %lt3A_106 = arith.cmpi slt, %add3A_100, %lt3A_105 : i32
      %convert_element_type3A_107 = arith.extui %lt3A_106 : i1 to i32
      %cond3A_108 = arith.constant 0 : i32
      %cond3A_109 = arith.cmpi ne, %convert_element_type3A_107, %cond3A_108 : i32
      scf.if %cond3A_109 {
        %dma_wait3A_137 = arith.constant 0 : i32
        %dma_wait3A_138 = tpu.memref_slice %arg5[%dma_wait3A_137] : memref<512xi32, #tpu.memory_space<vmem>> -> memref<8xi32, #tpu.memory_space<vmem>>
        %dma_wait3A_139 = arith.constant 0 : i32
        %dma_wait3A_140 = arith.constant 0 : i32
        %dma_wait3A_141 = tpu.memref_slice %arg3[%dma_wait3A_139, %dma_wait3A_140] : memref<100000x2048xf32, #tpu.memory_space<hbm>> -> memref<100000x2048xf32, #tpu.memory_space<hbm>>
        tpu.wait_indirect_dma semaphore(%arg15 : memref<!tpu.dma_semaphore, #tpu.memory_space<semaphore_mem>>) src(%dma_wait3A_141 : memref<100000x2048xf32, #tpu.memory_space<hbm>>) dst(%arg9 : memref<8x2048xf32, #tpu.memory_space<vmem>>)
        %mul3A_142 = arith.constant 8 : i32
        %mul3A_143 = arith.muli %add3A_100, %mul3A_142 : i32
        %add3A_144 = arith.addi %mul3A_2, %mul3A_143 : i32
        %multiple_of3A_145 = tpu.assume_multiple %add3A_144, 8 : i32
        %dma_start3A_146 = arith.constant 0 : i32
        %dma_start3A_147 = tpu.memref_slice %arg4[%multiple_of3A_145, %dma_start3A_146] : memref<16384x2048xf32, #tpu.memory_space<hbm>> -> memref<8x2048xf32, #tpu.memory_space<hbm>>
        %dma_start3A_148 = arith.constant 0 : i32
        %dma_start3A_149 = tpu.memref_slice %arg4[%multiple_of3A_145, %dma_start3A_148] : memref<16384x2048xf32, #tpu.memory_space<hbm>> -> memref<8x2048xf32, #tpu.memory_space<hbm>>
        tpu.enqueue_dma source(%arg9 : memref<8x2048xf32, #tpu.memory_space<vmem>>) target(%dma_start3A_149 : memref<8x2048xf32, #tpu.memory_space<hbm>>) target_semaphore(%arg21 : memref<!tpu.dma_semaphore, #tpu.memory_space<semaphore_mem>>)
        %lt3A_150 = arith.constant 64 : i32
        %lt3A_151 = arith.cmpi slt, %sub3A_104, %lt3A_150 : i32
        %ge3A = arith.constant 1 : i32
        %ge3A_152 = arith.cmpi sge, %add3A_100, %ge3A : i32
        %and3A = arith.andi %lt3A_151, %ge3A_152 : i1
        %convert_element_type3A_153 = arith.extui %and3A : i1 to i32
        %cond3A_154 = arith.constant 0 : i32
        %cond3A_155 = arith.cmpi ne, %convert_element_type3A_153, %cond3A_154 : i32
        scf.if %cond3A_155 {
          %dma_wait3A_161 = arith.constant 0 : i32
          %dma_wait3A_162 = tpu.memref_slice %arg4[%mul3A_2, %dma_wait3A_161] : memref<16384x2048xf32, #tpu.memory_space<hbm>> -> memref<8x2048xf32, #tpu.memory_space<hbm>>
          %dma_wait3A_163 = arith.constant 0 : i32
          %dma_wait3A_164 = tpu.memref_slice %arg4[%mul3A_2, %dma_wait3A_163] : memref<16384x2048xf32, #tpu.memory_space<hbm>> -> memref<8x2048xf32, #tpu.memory_space<hbm>>
          tpu.wait_dma2 semaphore(%arg20 : memref<!tpu.dma_semaphore, #tpu.memory_space<semaphore_mem>>) src(%arg8 : memref<8x2048xf32, #tpu.memory_space<vmem>>) dst(%dma_wait3A_164 : memref<8x2048xf32, #tpu.memory_space<hbm>>)
        } else {
        }
        %lt3A_156 = arith.constant 64 : i32
        %lt3A_157 = arith.cmpi slt, %sub3A_104, %lt3A_156 : i32
        %convert_element_type3A_158 = arith.extui %lt3A_157 : i1 to i32
        %cond3A_159 = arith.constant 0 : i32
        %cond3A_160 = arith.cmpi ne, %convert_element_type3A_158, %cond3A_159 : i32
        scf.if %cond3A_160 {
          %mul3A_161 = arith.constant 8 : i32
          %mul3A_162 = arith.muli %sub3A_104, %mul3A_161 : i32
          %multiple_of3A_163 = tpu.assume_multiple %mul3A_162, 8 : i32
          %dma_start3A_164 = tpu.memref_slice %arg5[%multiple_of3A_163] : memref<512xi32, #tpu.memory_space<vmem>> -> memref<8xi32, #tpu.memory_space<vmem>>
          %dma_start3A_165 = arith.constant 0 : i32
          %dma_start3A_166 = arith.constant 0 : i32
          %dma_start3A_167 = tpu.memref_slice %arg3[%dma_start3A_165, %dma_start3A_166] : memref<100000x2048xf32, #tpu.memory_space<hbm>> -> memref<100000x2048xf32, #tpu.memory_space<hbm>>
          tpu.enqueue_indirect_dma source(%dma_start3A_167 : memref<100000x2048xf32, #tpu.memory_space<hbm>>) target(%arg8 : memref<8x2048xf32, #tpu.memory_space<vmem>>) offsets(%dma_start3A_164 : memref<8xi32, #tpu.memory_space<vmem>>) semaphore(%arg14 : memref<!tpu.dma_semaphore, #tpu.memory_space<semaphore_mem>>)
        } else {
        }
      } else {
      }
      %mul3A_110 = arith.constant 6 : i32
      %mul3A_111 = arith.muli %scan3A_60, %mul3A_110 : i32
      %add3A_112 = arith.constant 4 : i32
      %add3A_113 = arith.addi %mul3A_111, %add3A_112 : i32
      %add3A_114 = arith.constant 6 : i32
      %add3A_115 = arith.addi %add3A_113, %add3A_114 : i32
      %sub3A_116 = arith.constant 1 : i32
      %sub3A_117 = arith.subi %add3A_115, %sub3A_116 : i32
      %lt3A_118 = arith.constant 64 : i32
      %lt3A_119 = arith.cmpi slt, %add3A_113, %lt3A_118 : i32
      %convert_element_type3A_120 = arith.extui %lt3A_119 : i1 to i32
      %cond3A_121 = arith.constant 0 : i32
      %cond3A_122 = arith.cmpi ne, %convert_element_type3A_120, %cond3A_121 : i32
      scf.if %cond3A_122 {
        %dma_wait3A_137 = arith.constant 0 : i32
        %dma_wait3A_138 = tpu.memref_slice %arg5[%dma_wait3A_137] : memref<512xi32, #tpu.memory_space<vmem>> -> memref<8xi32, #tpu.memory_space<vmem>>
        %dma_wait3A_139 = arith.constant 0 : i32
        %dma_wait3A_140 = arith.constant 0 : i32
        %dma_wait3A_141 = tpu.memref_slice %arg3[%dma_wait3A_139, %dma_wait3A_140] : memref<100000x2048xf32, #tpu.memory_space<hbm>> -> memref<100000x2048xf32, #tpu.memory_space<hbm>>
        tpu.wait_indirect_dma semaphore(%arg16 : memref<!tpu.dma_semaphore, #tpu.memory_space<semaphore_mem>>) src(%dma_wait3A_141 : memref<100000x2048xf32, #tpu.memory_space<hbm>>) dst(%arg10 : memref<8x2048xf32, #tpu.memory_space<vmem>>)
        %mul3A_142 = arith.constant 8 : i32
        %mul3A_143 = arith.muli %add3A_113, %mul3A_142 : i32
        %add3A_144 = arith.addi %mul3A_2, %mul3A_143 : i32
        %multiple_of3A_145 = tpu.assume_multiple %add3A_144, 8 : i32
        %dma_start3A_146 = arith.constant 0 : i32
        %dma_start3A_147 = tpu.memref_slice %arg4[%multiple_of3A_145, %dma_start3A_146] : memref<16384x2048xf32, #tpu.memory_space<hbm>> -> memref<8x2048xf32, #tpu.memory_space<hbm>>
        %dma_start3A_148 = arith.constant 0 : i32
        %dma_start3A_149 = tpu.memref_slice %arg4[%multiple_of3A_145, %dma_start3A_148] : memref<16384x2048xf32, #tpu.memory_space<hbm>> -> memref<8x2048xf32, #tpu.memory_space<hbm>>
        tpu.enqueue_dma source(%arg10 : memref<8x2048xf32, #tpu.memory_space<vmem>>) target(%dma_start3A_149 : memref<8x2048xf32, #tpu.memory_space<hbm>>) target_semaphore(%arg22 : memref<!tpu.dma_semaphore, #tpu.memory_space<semaphore_mem>>)
        %lt3A_150 = arith.constant 64 : i32
        %lt3A_151 = arith.cmpi slt, %sub3A_117, %lt3A_150 : i32
        %ge3A = arith.constant 1 : i32
        %ge3A_152 = arith.cmpi sge, %add3A_113, %ge3A : i32
        %and3A = arith.andi %lt3A_151, %ge3A_152 : i1
        %convert_element_type3A_153 = arith.extui %and3A : i1 to i32
        %cond3A_154 = arith.constant 0 : i32
        %cond3A_155 = arith.cmpi ne, %convert_element_type3A_153, %cond3A_154 : i32
        scf.if %cond3A_155 {
          %dma_wait3A_161 = arith.constant 0 : i32
          %dma_wait3A_162 = tpu.memref_slice %arg4[%mul3A_2, %dma_wait3A_161] : memref<16384x2048xf32, #tpu.memory_space<hbm>> -> memref<8x2048xf32, #tpu.memory_space<hbm>>
          %dma_wait3A_163 = arith.constant 0 : i32
          %dma_wait3A_164 = tpu.memref_slice %arg4[%mul3A_2, %dma_wait3A_163] : memref<16384x2048xf32, #tpu.memory_space<hbm>> -> memref<8x2048xf32, #tpu.memory_space<hbm>>
          tpu.wait_dma2 semaphore(%arg21 : memref<!tpu.dma_semaphore, #tpu.memory_space<semaphore_mem>>) src(%arg9 : memref<8x2048xf32, #tpu.memory_space<vmem>>) dst(%dma_wait3A_164 : memref<8x2048xf32, #tpu.memory_space<hbm>>)
        } else {
        }
        %lt3A_156 = arith.constant 64 : i32
        %lt3A_157 = arith.cmpi slt, %sub3A_117, %lt3A_156 : i32
        %convert_element_type3A_158 = arith.extui %lt3A_157 : i1 to i32
        %cond3A_159 = arith.constant 0 : i32
        %cond3A_160 = arith.cmpi ne, %convert_element_type3A_158, %cond3A_159 : i32
        scf.if %cond3A_160 {
          %mul3A_161 = arith.constant 8 : i32
          %mul3A_162 = arith.muli %sub3A_117, %mul3A_161 : i32
          %multiple_of3A_163 = tpu.assume_multiple %mul3A_162, 8 : i32
          %dma_start3A_164 = tpu.memref_slice %arg5[%multiple_of3A_163] : memref<512xi32, #tpu.memory_space<vmem>> -> memref<8xi32, #tpu.memory_space<vmem>>
          %dma_start3A_165 = arith.constant 0 : i32
          %dma_start3A_166 = arith.constant 0 : i32
          %dma_start3A_167 = tpu.memref_slice %arg3[%dma_start3A_165, %dma_start3A_166] : memref<100000x2048xf32, #tpu.memory_space<hbm>> -> memref<100000x2048xf32, #tpu.memory_space<hbm>>
          tpu.enqueue_indirect_dma source(%dma_start3A_167 : memref<100000x2048xf32, #tpu.memory_space<hbm>>) target(%arg9 : memref<8x2048xf32, #tpu.memory_space<vmem>>) offsets(%dma_start3A_164 : memref<8xi32, #tpu.memory_space<vmem>>) semaphore(%arg15 : memref<!tpu.dma_semaphore, #tpu.memory_space<semaphore_mem>>)
        } else {
        }
      } else {
      }
      %mul3A_123 = arith.constant 6 : i32
      %mul3A_124 = arith.muli %scan3A_60, %mul3A_123 : i32
      %add3A_125 = arith.constant 5 : i32
      %add3A_126 = arith.addi %mul3A_124, %add3A_125 : i32
      %add3A_127 = arith.constant 6 : i32
      %add3A_128 = arith.addi %add3A_126, %add3A_127 : i32
      %sub3A_129 = arith.constant 1 : i32
      %sub3A_130 = arith.subi %add3A_128, %sub3A_129 : i32
      %lt3A_131 = arith.constant 64 : i32
      %lt3A_132 = arith.cmpi slt, %add3A_126, %lt3A_131 : i32
      %convert_element_type3A_133 = arith.extui %lt3A_132 : i1 to i32
      %cond3A_134 = arith.constant 0 : i32
      %cond3A_135 = arith.cmpi ne, %convert_element_type3A_133, %cond3A_134 : i32
      scf.if %cond3A_135 {
        %dma_wait3A_137 = arith.constant 0 : i32
        %dma_wait3A_138 = tpu.memref_slice %arg5[%dma_wait3A_137] : memref<512xi32, #tpu.memory_space<vmem>> -> memref<8xi32, #tpu.memory_space<vmem>>
        %dma_wait3A_139 = arith.constant 0 : i32
        %dma_wait3A_140 = arith.constant 0 : i32
        %dma_wait3A_141 = tpu.memref_slice %arg3[%dma_wait3A_139, %dma_wait3A_140] : memref<100000x2048xf32, #tpu.memory_space<hbm>> -> memref<100000x2048xf32, #tpu.memory_space<hbm>>
        tpu.wait_indirect_dma semaphore(%arg17 : memref<!tpu.dma_semaphore, #tpu.memory_space<semaphore_mem>>) src(%dma_wait3A_141 : memref<100000x2048xf32, #tpu.memory_space<hbm>>) dst(%arg11 : memref<8x2048xf32, #tpu.memory_space<vmem>>)
        %mul3A_142 = arith.constant 8 : i32
        %mul3A_143 = arith.muli %add3A_126, %mul3A_142 : i32
        %add3A_144 = arith.addi %mul3A_2, %mul3A_143 : i32
        %multiple_of3A_145 = tpu.assume_multiple %add3A_144, 8 : i32
        %dma_start3A_146 = arith.constant 0 : i32
        %dma_start3A_147 = tpu.memref_slice %arg4[%multiple_of3A_145, %dma_start3A_146] : memref<16384x2048xf32, #tpu.memory_space<hbm>> -> memref<8x2048xf32, #tpu.memory_space<hbm>>
        %dma_start3A_148 = arith.constant 0 : i32
        %dma_start3A_149 = tpu.memref_slice %arg4[%multiple_of3A_145, %dma_start3A_148] : memref<16384x2048xf32, #tpu.memory_space<hbm>> -> memref<8x2048xf32, #tpu.memory_space<hbm>>
        tpu.enqueue_dma source(%arg11 : memref<8x2048xf32, #tpu.memory_space<vmem>>) target(%dma_start3A_149 : memref<8x2048xf32, #tpu.memory_space<hbm>>) target_semaphore(%arg23 : memref<!tpu.dma_semaphore, #tpu.memory_space<semaphore_mem>>)
        %lt3A_150 = arith.constant 64 : i32
        %lt3A_151 = arith.cmpi slt, %sub3A_130, %lt3A_150 : i32
        %ge3A = arith.constant 1 : i32
        %ge3A_152 = arith.cmpi sge, %add3A_126, %ge3A : i32
        %and3A = arith.andi %lt3A_151, %ge3A_152 : i1
        %convert_element_type3A_153 = arith.extui %and3A : i1 to i32
        %cond3A_154 = arith.constant 0 : i32
        %cond3A_155 = arith.cmpi ne, %convert_element_type3A_153, %cond3A_154 : i32
        scf.if %cond3A_155 {
          %dma_wait3A_161 = arith.constant 0 : i32
          %dma_wait3A_162 = tpu.memref_slice %arg4[%mul3A_2, %dma_wait3A_161] : memref<16384x2048xf32, #tpu.memory_space<hbm>> -> memref<8x2048xf32, #tpu.memory_space<hbm>>
          %dma_wait3A_163 = arith.constant 0 : i32
          %dma_wait3A_164 = tpu.memref_slice %arg4[%mul3A_2, %dma_wait3A_163] : memref<16384x2048xf32, #tpu.memory_space<hbm>> -> memref<8x2048xf32, #tpu.memory_space<hbm>>
          tpu.wait_dma2 semaphore(%arg22 : memref<!tpu.dma_semaphore, #tpu.memory_space<semaphore_mem>>) src(%arg10 : memref<8x2048xf32, #tpu.memory_space<vmem>>) dst(%dma_wait3A_164 : memref<8x2048xf32, #tpu.memory_space<hbm>>)
        } else {
        }
        %lt3A_156 = arith.constant 64 : i32
        %lt3A_157 = arith.cmpi slt, %sub3A_130, %lt3A_156 : i32
        %convert_element_type3A_158 = arith.extui %lt3A_157 : i1 to i32
        %cond3A_159 = arith.constant 0 : i32
        %cond3A_160 = arith.cmpi ne, %convert_element_type3A_158, %cond3A_159 : i32
        scf.if %cond3A_160 {
          %mul3A_161 = arith.constant 8 : i32
          %mul3A_162 = arith.muli %sub3A_130, %mul3A_161 : i32
          %multiple_of3A_163 = tpu.assume_multiple %mul3A_162, 8 : i32
          %dma_start3A_164 = tpu.memref_slice %arg5[%multiple_of3A_163] : memref<512xi32, #tpu.memory_space<vmem>> -> memref<8xi32, #tpu.memory_space<vmem>>
          %dma_start3A_165 = arith.constant 0 : i32
          %dma_start3A_166 = arith.constant 0 : i32
          %dma_start3A_167 = tpu.memref_slice %arg3[%dma_start3A_165, %dma_start3A_166] : memref<100000x2048xf32, #tpu.memory_space<hbm>> -> memref<100000x2048xf32, #tpu.memory_space<hbm>>
          tpu.enqueue_indirect_dma source(%dma_start3A_167 : memref<100000x2048xf32, #tpu.memory_space<hbm>>) target(%arg10 : memref<8x2048xf32, #tpu.memory_space<vmem>>) offsets(%dma_start3A_164 : memref<8xi32, #tpu.memory_space<vmem>>) semaphore(%arg16 : memref<!tpu.dma_semaphore, #tpu.memory_space<semaphore_mem>>)
        } else {
        }
      } else {
      }
      %scan3A_136 = arith.constant 0 : i32
      scf.yield %scan3A_136 : i32
    }
    %scan3A_36 = arith.constant 11 : i32
    %dma_wait3A = arith.constant 0 : i32
    %dma_wait3A_37 = tpu.memref_slice %arg4[%mul3A_2, %dma_wait3A] : memref<16384x2048xf32, #tpu.memory_space<hbm>> -> memref<8x2048xf32, #tpu.memory_space<hbm>>
    %dma_wait3A_38 = arith.constant 0 : i32
    %dma_wait3A_39 = tpu.memref_slice %arg4[%mul3A_2, %dma_wait3A_38] : memref<16384x2048xf32, #tpu.memory_space<hbm>> -> memref<8x2048xf32, #tpu.memory_space<hbm>>
    tpu.wait_dma2 semaphore(%arg18 : memref<!tpu.dma_semaphore, #tpu.memory_space<semaphore_mem>>) src(%arg6 : memref<8x2048xf32, #tpu.memory_space<vmem>>) dst(%dma_wait3A_39 : memref<8x2048xf32, #tpu.memory_space<hbm>>)
    %dma_wait3A_40 = arith.constant 0 : i32
    %dma_wait3A_41 = tpu.memref_slice %arg4[%mul3A_2, %dma_wait3A_40] : memref<16384x2048xf32, #tpu.memory_space<hbm>> -> memref<8x2048xf32, #tpu.memory_space<hbm>>
    %dma_wait3A_42 = arith.constant 0 : i32
    %dma_wait3A_43 = tpu.memref_slice %arg4[%mul3A_2, %dma_wait3A_42] : memref<16384x2048xf32, #tpu.memory_space<hbm>> -> memref<8x2048xf32, #tpu.memory_space<hbm>>
    tpu.wait_dma2 semaphore(%arg19 : memref<!tpu.dma_semaphore, #tpu.memory_space<semaphore_mem>>) src(%arg7 : memref<8x2048xf32, #tpu.memory_space<vmem>>) dst(%dma_wait3A_43 : memref<8x2048xf32, #tpu.memory_space<hbm>>)
    %dma_wait3A_44 = arith.constant 0 : i32
    %dma_wait3A_45 = tpu.memref_slice %arg4[%mul3A_2, %dma_wait3A_44] : memref<16384x2048xf32, #tpu.memory_space<hbm>> -> memref<8x2048xf32, #tpu.memory_space<hbm>>
    %dma_wait3A_46 = arith.constant 0 : i32
    %dma_wait3A_47 = tpu.memref_slice %arg4[%mul3A_2, %dma_wait3A_46] : memref<16384x2048xf32, #tpu.memory_space<hbm>> -> memref<8x2048xf32, #tpu.memory_space<hbm>>
    tpu.wait_dma2 semaphore(%arg20 : memref<!tpu.dma_semaphore, #tpu.memory_space<semaphore_mem>>) src(%arg8 : memref<8x2048xf32, #tpu.memory_space<vmem>>) dst(%dma_wait3A_47 : memref<8x2048xf32, #tpu.memory_space<hbm>>)
    %dma_wait3A_48 = arith.constant 0 : i32
    %dma_wait3A_49 = tpu.memref_slice %arg4[%mul3A_2, %dma_wait3A_48] : memref<16384x2048xf32, #tpu.memory_space<hbm>> -> memref<8x2048xf32, #tpu.memory_space<hbm>>
    %dma_wait3A_50 = arith.constant 0 : i32
    %dma_wait3A_51 = tpu.memref_slice %arg4[%mul3A_2, %dma_wait3A_50] : memref<16384x2048xf32, #tpu.memory_space<hbm>> -> memref<8x2048xf32, #tpu.memory_space<hbm>>
    tpu.wait_dma2 semaphore(%arg21 : memref<!tpu.dma_semaphore, #tpu.memory_space<semaphore_mem>>) src(%arg9 : memref<8x2048xf32, #tpu.memory_space<vmem>>) dst(%dma_wait3A_51 : memref<8x2048xf32, #tpu.memory_space<hbm>>)
    %dma_wait3A_52 = arith.constant 0 : i32
    %dma_wait3A_53 = tpu.memref_slice %arg4[%mul3A_2, %dma_wait3A_52] : memref<16384x2048xf32, #tpu.memory_space<hbm>> -> memref<8x2048xf32, #tpu.memory_space<hbm>>
    %dma_wait3A_54 = arith.constant 0 : i32
    %dma_wait3A_55 = tpu.memref_slice %arg4[%mul3A_2, %dma_wait3A_54] : memref<16384x2048xf32, #tpu.memory_space<hbm>> -> memref<8x2048xf32, #tpu.memory_space<hbm>>
    tpu.wait_dma2 semaphore(%arg22 : memref<!tpu.dma_semaphore, #tpu.memory_space<semaphore_mem>>) src(%arg10 : memref<8x2048xf32, #tpu.memory_space<vmem>>) dst(%dma_wait3A_55 : memref<8x2048xf32, #tpu.memory_space<hbm>>)
    %dma_wait3A_56 = arith.constant 0 : i32
    %dma_wait3A_57 = tpu.memref_slice %arg4[%mul3A_2, %dma_wait3A_56] : memref<16384x2048xf32, #tpu.memory_space<hbm>> -> memref<8x2048xf32, #tpu.memory_space<hbm>>
    %dma_wait3A_58 = arith.constant 0 : i32
    %dma_wait3A_59 = tpu.memref_slice %arg4[%mul3A_2, %dma_wait3A_58] : memref<16384x2048xf32, #tpu.memory_space<hbm>> -> memref<8x2048xf32, #tpu.memory_space<hbm>>
    tpu.wait_dma2 semaphore(%arg23 : memref<!tpu.dma_semaphore, #tpu.memory_space<semaphore_mem>>) src(%arg11 : memref<8x2048xf32, #tpu.memory_space<vmem>>) dst(%dma_wait3A_59 : memref<8x2048xf32, #tpu.memory_space<hbm>>)
    return
  }
}

</mosaic_0001>

<sc_bundles>
// kernel: kernel.3.cloned.1.call-start
scs
__scs_entry_jumppad:
0x0: {  	(pc) =	sbr.rel $0x88, $3  }
0x1: {  	(tag) =	ssettag $0x0;
	lr =	simm.s32 $0x1  }
0x2: {  	[smem:$0x3F9F] =	sst lr;
	_ =	strace $0xD0000000  }
0x3: {  	_ = 	snop  }
0x4: {  	_ = 	snop  }
0x5: {  	_ = 	snop  }
0x6: {  	_ = 	snop  }
0x7: {  	_ = 	snop  }
__scs_overlays_trampoline_lowered:
0x8: {  	[smem:$0x3FAE] =	sst s0  }
0x9: {  	[smem:$0x3FAF] =	sst s1  }
0xa: {  	[smem:$0x3FB0] =	sst s2  }
0xb: {  	[smem:$0x3FB1] =	sst s3  }
0xc: {  	[smem:$0x3FB2] =	sst s4  }
0xd: {  	[smem:$0x3FB3] =	sst s5  }
0xe: {  	[smem:$0x3FB4] =	sst s6  }
0xf: {  	[smem:$0x3FB5] =	sst s7  }
0x10: {  	[smem:$0x3FB6] =	sst s8  }
0x11: {  	[smem:$0x3FB7] =	sst s9;
	s0 =	simm.s32 @!p0 $0x0  }
0x12: {  	s1 =	sld [smem:$0x3F9D];
	s0 =	simm.s32 @p0 $0x1  }
0x13: {  	[smem:$0x3FB8] =	sst s0;
	s0 =	simm.s32 @!p1 $0x0  }
0x14: {  	s2 =	sld [smem:$0x3F9C];
	s0 =	simm.s32 @p1 $0x1  }
0x15: {  	[smem:$0x3FB9] =	sst s0;
	s0 =	simm.s32 @!p2 $0x0  }
0x16: {  	s3 =	sld [smem:$0x3FDB];
	s0 =	simm.s32 @p2 $0x1  }
0x17: {  	s4 =	simm.s32 $0x1BF5;
	[smem:$0x3FBB] =	sst s0  }
0x18: {  	s0 =	sld [smem:$0x3F9E];
	_ =	swait.ge [sflag:s4], $0x0  }
0x19: {  	s7 =	sld [smem:$0x3F9F]  }
0x1a: {  	s8 =	sadd.s32 $0xFFFFE003, lr  }
0x1b: {  	s9 =	sadd.s32 $0xFFFFFEF7, lr;
	s5 =	simm.s32 $0xFFFFFFFF;
	p2 =	slt.u32 s8, $0xFFFFF086  }
0x1c: {  	p1 =	slt.u32 s9, $0xF7A;
	s5 =	simm.s32 @!p2 $0x0  }
0x1d: {  	s5 =	simm.s32 @p1 $0x1;
	p0 =	seq.s32 s7, s2  }
0x1e: {  	s7 =	smul.u32 @!p0 $0xF7A, s2;
	p2 =	seq.s32 @!p0 s5, $0x0  }
0x1f: {  	s9 =	smul.u32 $0xF7A, s1;
	s8 =	simm.s32 @!p0 $0x1BF5;
	p2 =	por !p2, p0  }
0x20: {  	[sflag:s8] =	ssyncset.s32 @!p0 $0xFFFFF086;
	s6 =	sadd.s32 @!p0 s3, s7;
	s7 =	simm.s32 @!p0 $0x108  }
0x21: {  	s3 =	sadd.s32 s3, s9;
	s6 =	sadd.s32 @!p0 $0x88, s6;
	s7 =	simm.s32 @p2 $0x1082  }
0x22: {  	[simem:s7], [sflag:s8] =	dma.local @!p0 [hbm:s6], $0xF7A  }
0x23: {  	s9 =	sor.u32 $0xD0000000, s2;
	s6 =	simm.s32 $0x108;
	_ =	swait.ge @!p0 [sflag:s8], $0x0  }
0x24: {  	s3 =	sadd.s32 $0x88, s3;
	s6 =	simm.s32 @!p1 $0x1082;
	[sflag:s4] =	ssyncset.s32 $0xFFFFF086  }
0x25: {  	[simem:s6], [sflag:s4] =	dma.local [hbm:s3], $0xF7A  }
0x26: {  	[smem:$0x3F9F] =	sst s1;
	(tag) =	ssettag s2;
	_ =	strace s9  }
0x27: {  	s1 =	sld [smem:$0x3FAF]  }
0x28: {  	s2 =	sld [smem:$0x3FB0]  }
0x29: {  	s4 =	sld [smem:$0x3FB2]  }
0x2a: {  	p0 =	seq.s32 s5, $0x0;
	s5 =	sld [smem:$0x3FB3]  }
0x2b: {  	s6 =	sld [smem:$0x3FB4]  }
0x2c: {  	s7 =	sld [smem:$0x3FB5]  }
0x2d: {  	s3 =	simm.s32 $0x108;
	s8 =	sld [smem:$0x3FB6]  }
0x2e: {  	s3 =	simm.s32 @!p0 $0x1082;
	s9 =	sld [smem:$0x3FB7]  }
0x2f: {  	lr =	sadd.s32 s0, s3;
	s0 =	sld [smem:$0x3FAE]  }
0x30: {  	s3 =	sld [smem:$0x3FB1]  }
0x31: {  	[smem:$0x3FBA] =	sst s10  }
0x32: {  	s10 =	sld [smem:$0x3FB8];
	_ =	sdelay $0x3  }
0x33: {  	p0 =	seq.s32 s10, $0x1;
	s10 =	sld [smem:$0x3FBA];
	_ =	sdelay $0x3  }
0x34: {  	[smem:$0x3FBA] =	sst s10  }
0x35: {  	s10 =	sld [smem:$0x3FB9];
	_ =	sdelay $0x3  }
0x36: {  	p1 =	seq.s32 s10, $0x1;
	s10 =	sld [smem:$0x3FBA];
	_ =	sdelay $0x3  }
0x37: {  	[smem:$0x3FBA] =	sst s10  }
0x38: {  	s10 =	sld [smem:$0x3FBB]  }
0x39: {  	_ = 	snop;
	(pc) =	sbr.ind lr, $3  }
0x3a: {  	_ = 	snop  }
0x3b: {  	_ = 	snop  }
0x3c: {  	p2 =	seq.s32 s10, $0x1;
	s10 =	sld [smem:$0x3FBA]  }
0x3d: {  	_ =	shalt  }
0x3e: {  	_ =	shalt  }
0x3f: {  	_ =	shalt  }
0x40: {  	_ =	shalt  }
0x41: {  	_ =	shalt  }
0x42: {  	_ =	shalt  }
0x43: {  	_ =	shalt  }
0x44: {  	_ =	shalt  }
0x45: {  	_ =	shalt  }
0x46: {  	_ =	shalt  }
0x47: {  	_ =	shalt  }
0x48: {  	_ =	shalt  }
0x49: {  	_ =	shalt  }
0x4a: {  	_ =	shalt  }
0x4b: {  	_ =	shalt  }
0x4c: {  	_ =	shalt  }
0x4d: {  	_ =	shalt  }
0x4e: {  	_ =	shalt  }
0x4f: {  	_ =	shalt  }
0x50: {  	_ =	shalt  }
0x51: {  	_ =	shalt  }
0x52: {  	_ =	shalt  }
0x53: {  	_ =	shalt  }
0x54: {  	_ =	shalt  }
0x55: {  	_ =	shalt  }
0x56: {  	_ =	shalt  }
0x57: {  	_ =	shalt  }
0x58: {  	_ =	shalt  }
0x59: {  	_ =	shalt  }
0x5a: {  	_ =	shalt  }
0x5b: {  	_ =	shalt  }
0x5c: {  	_ =	shalt  }
0x5d: {  	_ =	shalt  }
0x5e: {  	_ =	shalt  }
0x5f: {  	_ =	shalt  }
0x60: {  	_ =	shalt  }
0x61: {  	_ =	shalt  }
0x62: {  	_ =	shalt  }
0x63: {  	_ =	shalt  }
0x64: {  	_ =	shalt  }
0x65: {  	_ =	shalt  }
0x66: {  	_ =	shalt  }
0x67: {  	_ =	shalt  }
0x68: {  	_ =	shalt  }
0x69: {  	_ =	shalt  }
0x6a: {  	_ =	shalt  }
0x6b: {  	_ =	shalt  }
0x6c: {  	_ =	shalt  }
0x6d: {  	_ =	shalt  }
0x6e: {  	_ =	shalt  }
0x6f: {  	_ =	shalt  }
0x70: {  	_ =	shalt  }
0x71: {  	_ =	shalt  }
0x72: {  	_ =	shalt  }
0x73: {  	_ =	shalt  }
0x74: {  	_ =	shalt  }
0x75: {  	_ =	shalt  }
0x76: {  	_ =	shalt  }
0x77: {  	_ =	shalt  }
0x78: {  	_ =	shalt  }
0x79: {  	_ =	shalt  }
0x7a: {  	_ =	shalt  }
0x7b: {  	_ =	shalt  }
0x7c: {  	_ =	shalt  }
0x7d: {  	_ =	shalt  }
0x7e: {  	_ =	shalt  }
0x7f: {  	_ =	shalt  }
0x80: {  	_ =	shalt  }
0x81: {  	_ =	shalt  }
0x82: {  	_ =	shalt  }
0x83: {  	_ =	shalt  }
0x84: {  	_ =	shalt  }
0x85: {  	_ =	shalt  }
0x86: {  	_ =	shalt  }
0x87: {  	_ =	shalt  }
.Lfunc_end0:
.L_simem_size_0:
called_computation_lowered:
.L_overlay_start_0:
0x88: {  	s2 =	sld [smem:$0x3FD9]  }
0x89: {  	s3 =	sld [smem:$0x3FFE];
	_ =	sdelay $0x1  }
0x8a: {  	s1 =	srdreg.scid  }
0x8b: {  	s0 =	sand.u32 $0x1, s1  }
0x8c: {  	s17 =	sshll.u32 s0, $0xA;
	s2 =	sadd.s32 s3, s2  }
0x8d: {  	s2 =	sadd.s32 s2, s17  }
0x8e: {  	[smem:$0x3FC6] =	sst s2  }
0x8f: {  	_ = 	snop  }
0x90: {  	s2 =	sld [smem:$0x3FC8]  }
0x91: {  	s18 =	sld [smem:$0x3FD0];
	(tm) =	ssettm $0x1  }
0x92: {  	s4 =	sld [smem:$0x3FFB];
	_ =	sdelay $0x3  }
0x93: {  	_ =	strace s4  }
0x94: {  	s4 =	sld [smem:$0x3FFC];
	_ =	sdelay $0x3  }
0x95: {  	_ =	strace s4  }
0x96: {  	s4 =	sld [smem:$0x3FFD];
	_ =	sdelay $0x3  }
0x97: {  	_ =	strace s4  }
0x98: {  	_ =	strace $0x8FFFFFFF  }
0x99: {  	s19 =	sld [smem:$0x3FDB];
	_ =	sdelay $0x1  }
0x9a: {  	s5 =	simm.s32 $_scs_section_size  }
0x9b: {  	s6 =	simm.s32 $_size__tile_overlayer_lowered;
	s7 =	simm.s32 $_tile_overlayer_lowered  }
0x9c: {  	s22 =	simm.s32 $0x1BFF;
	s21 =	sshll.u32 s7, $0x1;
	s4 =	sadd.s32 s5, s19  }
0x9d: {  	s8 =	simm.s32 $0x0;
	s20 =	sshll.u32 s6, $0x1;
	s6 =	sadd.s32 s21, s4  }
0x9e: {  	[timem:s8], [sflag:s22] =	dma.local [hbm:s6], s20  }
0x9f: {  	_ =	swait.ge [sflag:s22], s20  }
0xa0: {  	s5 =	ssub.s32 $0x0, s20;
	[sflag:s22] =	ssyncset.done $0x0  }
0xa1: {  	[sflag:s22] =	ssyncadd.s32 s5;
	_ =	sdelay $0x1  }
0xa2: {  	s23 =	simm.s32 $0x1B8B  }
0xa3: {  	_ =	swait.ge [sflag:s23], $0x1  }
0xa4: {  	[sflag:s23] =	ssyncset.done $0x0  }
0xa5: {  	s25 =	simm.s32 $0x1B8E;
	s24 =	sld [smem:$0x3FFE];
	[sflag:s23] =	ssyncadd.s32 $0xFFFFFFFF  }
0xa6: {  	s26 =	simm.s32 $execute0_lowered;
	[smem:$0x3FD2] =	sst s25  }
0xa7: {  	s6 =	sshll.u32 s26, $0x1;
	_ =	strace $0x80000046;
	[dreg:$0x1] =	wrdreg $0xFFFFFFFF  }
0xa8: {  	s28 =	simm.s32 $_size_execute0_lowered;
	s4 =	sadd.s32 s4, s6;
	[dreg:$0x0] =	wrdreg $0x0  }
0xa9: {  	s6 =	sshll.u32 s28, $0x1;
	[dreg:$0x2] =	wrdreg s4  }
0xaa: {  	[dreg:$0x3] =	wrdreg s6  }
0xab: {  	[dreg:$0x4] =	wrdreg $0xC0  }
0xac: {  	_ =	task [dreg:s8], $0x5FFFF  }
0xad: {  	[dreg:$0x1] =	wrdreg $0xFFFFFFFF  }
0xae: {  	[dreg:$0x0] =	wrdreg $0x60  }
0xaf: {  	[dreg:$0x2] =	wrdreg s24  }
0xb0: {  	[dreg:$0x3] =	wrdreg s2  }
0xb1: {  	[dreg:$0x4] =	wrdreg s18  }
0xb2: {  	[dreg:$0x5] =	wrdreg $0x9  }
0xb3: {  	_ =	task.clear_ibuf [dreg:s8], $0x6FFFF;
	_ =	strace $0x90000046  }
0xb4: {  	s29 =	simm.s32 $0x9;
	_ =	strace $0x80000048  }
0xb5: {  	_ =	swait.ge [sflag:s29], $0x1  }
0xb6: {  	[sflag:s29] =	ssyncadd.s32 $0xFFFFFFFF  }
0xb7: {  	_ =	strace $0x90000048  }
0xb8: {  	_ =	sfence  }
0xb9: {  	s30 =	sld [smem:$0x0];
	_ =	sdelay $0x2  }
0xba: {  	s31 =	sshll.u32 s1, $0xD;
	s1 =	sshrl.u32 s1, $0x2  }
0xbb: {  	s3 =	sand.u32 $0x4000, s31;
	s1 =	sadd.s32 s1, s30  }
0xbc: {  	s0 =	sor.u32 s3, s0;
	s1 =	sshll.u32 s1, $0x11  }
0xbd: {  	s0 =	sor.u32 s1, s0  }
0xbe: {  	s0 =	sadd.s32 $0x8F2B, s0  }
0xbf: {  	[sflag:s0] =	ssyncadd.remote.s32 $0x1  }
0xc0: {  	_ =	sfence.sel $0xFFFF  }
0xc1: {  	[dreg:$0x0] =	wrdreg $0xFFFFFFFF;
	(pc) =	sbr.abs _section_cstart, $3  }
0xc2: {  	[dreg:$0x1] =	wrdreg $0xFFFFFFFF  }
0xc3: {  	_ =	task.clear_ibuf [dreg:s8], $0x2FFFF;
	_ =	strace $0x9FFFFFFF  }
0xc4: {  	(tm) =	ssettm $0x7FFFFFFF  }
0xc5: {  	_ =	shalt  }
tec
execute0_lowered:
.L_overlay_start_1:
0x0: {  	(tag) =	ssettag $0x1  }
0x1: {  	s0 =	rddreg [dreg:$0x0];
	s1 =	srdreg.scid  }
0x2: {  	s2 =	rddreg [dreg:$0x1];
	s14 =	stileid.u32  }
0x3: {  	s4 =	rddreg [dreg:$0x2];
	s3 =	simm.s32 $0x0;
	s28 =	simm.s32 $0x4200  }
0x4: {  	s18 =	simm.s32 $0xC200;
	s29 =	simm.s32 $0xA;
	s31 =	simm.s32 $0x5  }
0x5: {  	s19 =	simm.s32 $0x6;
	s20 =	simm.s32 $0x0;
	s1 =	sand.u32 $0x1, s1  }
0x6: {  	s5 =	sshll.u32 s14, $0xA;
	[smem:$0x7FF] =	sst s3;
	s7 =	sadd.s32 $0x300, s2  }
0x7: {  	s8 =	sadd.s32 $0x400, s2;
	s9 =	sadd.s32 $0x500, s2;
	s10 =	sadd.s32 $0x600, s2  }
0x8: {  	s11 =	sadd.s32 $0x700, s2;
	s25 =	sshll.u32 s14, $0x12;
	s14 =	simm.s32 $0x4  }
0x9: {  	s6 =	sshll.u32 s1, $0x9;
	s21 =	ssub.s32 $0x2, s1;
	_ =	strace $0x80000047  }
0xa: {  	s26 =	sadd.s32 s25, s4;
	s1 =	sshll.u32 s1, $0x11;
	s25 =	simm.s32 $0x2  }
0xb: {  	s12 =	sor.u32 s6, s5;
	s22 =	sshrl.u32 s21, $0x1;
	s6 =	sadd.s32 $0x200, s2  }
0xc: {  	s16 =	sadd.s32 s1, s26;
	s26 =	simm.s32 $0x3;
	s5 =	sshrl.u32 s12, $0x3  }
0xd: {  	s13 =	ssub.s32 s21, s22;
	s24 =	sshll.u32 s12, $0x8;
	s22 =	simm.s32 $0x8200  }
.Ltmp0:
0xe: {  	s12 =	simm.s32 $0x9;
	s0 =	sadd.s32 s5, s0;
	(pc) =	sbr.rel .LBB2_1-.Ltmp0, $4  }
0xf: {  	s5 =	sadd.s32 $0x100, s2;
	s23 =	smax.u32 s13, $0x1;
	s13 =	sadd.s32 s24, s4  }
0x10: {  	v0 =	vlaneseq.u32;
	s4 =	simm.s32 $0x8;
	s0 =	sadd.s32 $0x400, s0;
	[dreg:$0x5] =	wrdreg s23  }
0x11: {  	v1 =	vshrl.u32 v0, $0x3;
	s30 =	sadd.s32 $0x1F800, s13;
	s15 =	sadd.s32 $0x1000, s13;
	[dreg:$0x4] =	wrdreg s0  }
0x12: {  	vm0 =	vmmov $0xffff;
	v0 =	vand.u32 $0x7, v0;
	v1 =	vmul.u32 $0x8, v1;
	s17 =	sadd.s32 $0x2000, s13;
	s23 =	simm.s32 $0x1;
	[dreg:$0x6] =	wrdreg s30  }
.LBB2_8:
0x13: {  	_ =	swait.ge [sflag:s14], $0x4000  }
0x14: {  	[sflag:s14] =	ssyncset.done $0x0  }
0x15: {  	s0 =	rddreg [dreg:$0x6];
	[sflag:s14] =	ssyncadd.s32 $0xFFFFC000  }
0x16: {  	[hbm4b:s0+s3] =	stream.linear.scatter [tilespmem:s18], [sflag:$0xA], $0x4000, $0x38;
	[tilespmem:$0x18200] =	vst v63  }
.LBB2_9:
0x17: {  	s0 =	simm.s32 $0x7  }
0x18: {  	_ =	swait.ge [sflag:s0], $0x4000  }
0x19: {  	[sflag:s0] =	ssyncset.done $0x0  }
0x1a: {  	[sflag:s0] =	ssyncadd.s32 $0xFFFFC000  }
0x1b: {  	_ =	swait.ge [sflag:s4], $0x4000  }
0x1c: {  	[sflag:s4] =	ssyncset.done $0x0  }
0x1d: {  	[sflag:s4] =	ssyncadd.s32 $0xFFFFC000  }
0x1e: {  	_ =	swait.ge [sflag:s12], $0x4000  }
0x1f: {  	[sflag:s12] =	ssyncset.done $0x0  }
0x20: {  	[sflag:s12] =	ssyncadd.s32 $0xFFFFC000  }
0x21: {  	_ =	swait.ge [sflag:s29], $0x4000  }
0x22: {  	[sflag:s29] =	ssyncset.done $0x0  }
0x23: {  	s24 =	simm.s32 $0xB;
	[sflag:s29] =	ssyncadd.s32 $0xFFFFC000  }
0x24: {  	_ =	swait.ge [sflag:s24], $0x4000  }
0x25: {  	[sflag:s24] =	ssyncset.done $0x0  }
0x26: {  	s1 =	simm.s32 $0xC;
	[sflag:s24] =	ssyncadd.s32 $0xFFFFC000  }
0x27: {  	_ =	swait.ge [sflag:s1], $0x4000  }
0x28: {  	s20 =	rddreg [dreg:$0x7]  }
0x29: {  	s30 =	rddreg [dreg:$0x5];
	s20 =	sadd.s32 $0x1, s20  }
0x2a: {  	p0 =	sne.s32 s20, s30  }
.Ltmp1:
0x2b: {  	_ = 	snop;
	(pc) =	sbr.rel @!p0 .LBB2_10-.Ltmp1, $3  }
0x2c: {  	_ =	sdelay $0x1  }
0x2d: {  	[sflag:s1] =	ssyncset.done $0x0  }
0x2e: {  	[sflag:s1] =	ssyncadd.s32 $0xFFFFC000  }
.LBB2_1:
0x2f: {  	[dreg:$0x7] =	wrdreg s20  }
0x30: {  	s0 =	rddreg [dreg:$0x4];
	s21 =	simm.s32 $0xD  }
0x31: {  	[tilespmem:s3], [sflag:$0xD] =	stream.linear.gather [hbm4b:s0+s3], $0x200, $0x38;
	[tilespmem:$0x18200] =	vst v63  }
0x32: {  	_ =	swait.ge [sflag:s21], $0x200  }
0x33: {  	[sflag:s21] =	ssyncset.done $0x0  }
0x34: {  	[sflag:s21] =	ssyncadd.s32 $0xFFFFFE00  }
0x35: {  	v2 =	vld.msk [tilespmem:$0x0], $0xff;
	_ =	sdelay $0x4  }
0x36: {  	v3 =	vshll.u32 v2, $0x4  }
0x37: {  	v2 =	vand.u32 $0x7, v2;
	v3 =	vand.u32 $0xFFFFFF80, v3  }
0x38: {  	v2 =	vor.u32 v2, v3  }
0x39: {  	v2 =	vperm.xlane v2, v0;
	_ =	sdelay $0x1  }
0x3a: {  	v2 =	vadd.s32 v1, v2;
	_ =	sdelay $0x3  }
0x3b: {  	s24 =	simm.s32 $0x200  }
0x3c: {  	[tilespmem:s24], [sflag:$0x1] =	stream.indirect_vreg.gather [hbm4b:s2+s3], $0x80, v2, vm0, $0xb8;
	[tilespmem:$0x18200] =	vst v63  }
0x3d: {  	s30 =	simm.s32 $0xA00  }
0x3e: {  	[tilespmem:s30], [sflag:$0x1] =	stream.indirect_vreg.gather [hbm4b:s5+s3], $0x80, v2, vm0, $0xb8;
	[tilespmem:$0x18200] =	vst v63  }
0x3f: {  	s1 =	simm.s32 $0x1200  }
0x40: {  	[tilespmem:s1], [sflag:$0x1] =	stream.indirect_vreg.gather [hbm4b:s6+s3], $0x80, v2, vm0, $0xb8;
	[tilespmem:$0x18200] =	vst v63  }
0x41: {  	s20 =	simm.s32 $0x1A00  }
0x42: {  	[tilespmem:s20], [sflag:$0x1] =	stream.indirect_vreg.gather [hbm4b:s7+s3], $0x80, v2, vm0, $0xb8;
	[tilespmem:$0x18200] =	vst v63  }
0x43: {  	s21 =	simm.s32 $0x2200  }
0x44: {  	[tilespmem:s21], [sflag:$0x1] =	stream.indirect_vreg.gather [hbm4b:s8+s3], $0x80, v2, vm0, $0xb8;
	[tilespmem:$0x18200] =	vst v63  }
0x45: {  	s24 =	simm.s32 $0x2A00  }
0x46: {  	[tilespmem:s24], [sflag:$0x1] =	stream.indirect_vreg.gather [hbm4b:s9+s3], $0x80, v2, vm0, $0xb8;
	[tilespmem:$0x18200] =	vst v63  }
0x47: {  	s30 =	simm.s32 $0x3200  }
0x48: {  	[tilespmem:s30], [sflag:$0x1] =	stream.indirect_vreg.gather [hbm4b:s10+s3], $0x80, v2, vm0, $0xb8;
	[tilespmem:$0x18200] =	vst v63  }
0x49: {  	s1 =	simm.s32 $0x3A00  }
0x4a: {  	[tilespmem:s1], [sflag:$0x1] =	stream.indirect_vreg.gather [hbm4b:s11+s3], $0x80, v2, vm0, $0xb8;
	[tilespmem:$0x18200] =	vst v63  }
0x4b: {  	v2 =	vld.msk [tilespmem:$0x8], $0xff;
	_ =	sdelay $0x4  }
0x4c: {  	v3 =	vshll.u32 v2, $0x4  }
0x4d: {  	v2 =	vand.u32 $0x7, v2;
	v3 =	vand.u32 $0xFFFFFF80, v3  }
0x4e: {  	v2 =	vor.u32 v2, v3  }
0x4f: {  	v2 =	vperm.xlane v2, v0;
	_ =	sdelay $0x1  }
0x50: {  	v2 =	vadd.s32 v1, v2;
	_ =	sdelay $0x4  }
0x51: {  	[tilespmem:s28], [sflag:$0x2] =	stream.indirect_vreg.gather [hbm4b:s2+s3], $0x80, v2, vm0, $0xb8;
	[tilespmem:$0x18200] =	vst v63  }
0x52: {  	s20 =	simm.s32 $0x4A00  }
0x53: {  	[tilespmem:s20], [sflag:$0x2] =	stream.indirect_vreg.gather [hbm4b:s5+s3], $0x80, v2, vm0, $0xb8;
	[tilespmem:$0x18200] =	vst v63  }
0x54: {  	s21 =	simm.s32 $0x5200  }
0x55: {  	[tilespmem:s21], [sflag:$0x2] =	stream.indirect_vreg.gather [hbm4b:s6+s3], $0x80, v2, vm0, $0xb8;
	[tilespmem:$0x18200] =	vst v63  }
0x56: {  	s24 =	simm.s32 $0x5A00  }
0x57: {  	[tilespmem:s24], [sflag:$0x2] =	stream.indirect_vreg.gather [hbm4b:s7+s3], $0x80, v2, vm0, $0xb8;
	[tilespmem:$0x18200] =	vst v63  }
0x58: {  	s30 =	simm.s32 $0x6200  }
0x59: {  	[tilespmem:s30], [sflag:$0x2] =	stream.indirect_vreg.gather [hbm4b:s8+s3], $0x80, v2, vm0, $0xb8;
	[tilespmem:$0x18200] =	vst v63  }
0x5a: {  	s1 =	simm.s32 $0x6A00  }
0x5b: {  	[tilespmem:s1], [sflag:$0x2] =	stream.indirect_vreg.gather [hbm4b:s9+s3], $0x80, v2, vm0, $0xb8;
	[tilespmem:$0x18200] =	vst v63  }
0x5c: {  	s20 =	simm.s32 $0x7200  }
0x5d: {  	[tilespmem:s20], [sflag:$0x2] =	stream.indirect_vreg.gather [hbm4b:s10+s3], $0x80, v2, vm0, $0xb8;
	[tilespmem:$0x18200] =	vst v63  }
0x5e: {  	s21 =	simm.s32 $0x7A00  }
0x5f: {  	[tilespmem:s21], [sflag:$0x2] =	stream.indirect_vreg.gather [hbm4b:s11+s3], $0x80, v2, vm0, $0xb8;
	[tilespmem:$0x18200] =	vst v63  }
0x60: {  	v2 =	vld.msk [tilespmem:$0x10], $0xff;
	_ =	sdelay $0x4  }
0x61: {  	v3 =	vshll.u32 v2, $0x4  }
0x62: {  	v2 =	vand.u32 $0x7, v2;
	v3 =	vand.u32 $0xFFFFFF80, v3  }
0x63: {  	v2 =	vor.u32 v2, v3  }
0x64: {  	v2 =	vperm.xlane v2, v0;
	_ =	sdelay $0x1  }
0x65: {  	v2 =	vadd.s32 v1, v2;
	_ =	sdelay $0x4  }
0x66: {  	[tilespmem:s22], [sflag:$0x3] =	stream.indirect_vreg.gather [hbm4b:s2+s3], $0x80, v2, vm0, $0xb8;
	[tilespmem:$0x18200] =	vst v63  }
0x67: {  	s24 =	simm.s32 $0x8A00  }
0x68: {  	[tilespmem:s24], [sflag:$0x3] =	stream.indirect_vreg.gather [hbm4b:s5+s3], $0x80, v2, vm0, $0xb8;
	[tilespmem:$0x18200] =	vst v63  }
0x69: {  	s30 =	simm.s32 $0x9200  }
0x6a: {  	[tilespmem:s30], [sflag:$0x3] =	stream.indirect_vreg.gather [hbm4b:s6+s3], $0x80, v2, vm0, $0xb8;
	[tilespmem:$0x18200] =	vst v63  }
0x6b: {  	s1 =	simm.s32 $0x9A00  }
0x6c: {  	[tilespmem:s1], [sflag:$0x3] =	stream.indirect_vreg.gather [hbm4b:s7+s3], $0x80, v2, vm0, $0xb8;
	[tilespmem:$0x18200] =	vst v63  }
0x6d: {  	s20 =	simm.s32 $0xA200  }
0x6e: {  	[tilespmem:s20], [sflag:$0x3] =	stream.indirect_vreg.gather [hbm4b:s8+s3], $0x80, v2, vm0, $0xb8;
	[tilespmem:$0x18200] =	vst v63  }
0x6f: {  	s21 =	simm.s32 $0xAA00  }
0x70: {  	[tilespmem:s21], [sflag:$0x3] =	stream.indirect_vreg.gather [hbm4b:s9+s3], $0x80, v2, vm0, $0xb8;
	[tilespmem:$0x18200] =	vst v63  }
0x71: {  	s24 =	simm.s32 $0xB200  }
0x72: {  	[tilespmem:s24], [sflag:$0x3] =	stream.indirect_vreg.gather [hbm4b:s10+s3], $0x80, v2, vm0, $0xb8;
	[tilespmem:$0x18200] =	vst v63  }
0x73: {  	s30 =	simm.s32 $0xBA00  }
0x74: {  	[tilespmem:s30], [sflag:$0x3] =	stream.indirect_vreg.gather [hbm4b:s11+s3], $0x80, v2, vm0, $0xb8;
	[tilespmem:$0x18200] =	vst v63  }
0x75: {  	v2 =	vld.msk [tilespmem:$0x18], $0xff;
	_ =	sdelay $0x4  }
0x76: {  	v3 =	vshll.u32 v2, $0x4  }
0x77: {  	v2 =	vand.u32 $0x7, v2;
	v3 =	vand.u32 $0xFFFFFF80, v3  }
0x78: {  	v2 =	vor.u32 v2, v3  }
0x79: {  	v2 =	vperm.xlane v2, v0;
	_ =	sdelay $0x1  }
0x7a: {  	v2 =	vadd.s32 v1, v2;
	_ =	sdelay $0x4  }
0x7b: {  	[tilespmem:s18], [sflag:$0x4] =	stream.indirect_vreg.gather [hbm4b:s2+s3], $0x80, v2, vm0, $0xb8;
	[tilespmem:$0x18200] =	vst v63  }
0x7c: {  	s1 =	simm.s32 $0xCA00  }
0x7d: {  	[tilespmem:s1], [sflag:$0x4] =	stream.indirect_vreg.gather [hbm4b:s5+s3], $0x80, v2, vm0, $0xb8;
	[tilespmem:$0x18200] =	vst v63  }
0x7e: {  	s20 =	simm.s32 $0xD200  }
0x7f: {  	[tilespmem:s20], [sflag:$0x4] =	stream.indirect_vreg.gather [hbm4b:s6+s3], $0x80, v2, vm0, $0xb8;
	[tilespmem:$0x18200] =	vst v63  }
0x80: {  	s21 =	simm.s32 $0xDA00  }
0x81: {  	[tilespmem:s21], [sflag:$0x4] =	stream.indirect_vreg.gather [hbm4b:s7+s3], $0x80, v2, vm0, $0xb8;
	[tilespmem:$0x18200] =	vst v63  }
0x82: {  	s24 =	simm.s32 $0xE200  }
0x83: {  	[tilespmem:s24], [sflag:$0x4] =	stream.indirect_vreg.gather [hbm4b:s8+s3], $0x80, v2, vm0, $0xb8;
	[tilespmem:$0x18200] =	vst v63  }
0x84: {  	s30 =	simm.s32 $0xEA00  }
0x85: {  	[tilespmem:s30], [sflag:$0x4] =	stream.indirect_vreg.gather [hbm4b:s9+s3], $0x80, v2, vm0, $0xb8;
	[tilespmem:$0x18200] =	vst v63  }
0x86: {  	s1 =	simm.s32 $0xF200  }
0x87: {  	[tilespmem:s1], [sflag:$0x4] =	stream.indirect_vreg.gather [hbm4b:s10+s3], $0x80, v2, vm0, $0xb8;
	[tilespmem:$0x18200] =	vst v63  }
0x88: {  	s20 =	simm.s32 $0xFA00  }
0x89: {  	[tilespmem:s20], [sflag:$0x4] =	stream.indirect_vreg.gather [hbm4b:s11+s3], $0x80, v2, vm0, $0xb8;
	[tilespmem:$0x18200] =	vst v63  }
0x8a: {  	v2 =	vld.msk [tilespmem:$0x20], $0xff;
	_ =	sdelay $0x4  }
0x8b: {  	v3 =	vshll.u32 v2, $0x4  }
0x8c: {  	v2 =	vand.u32 $0x7, v2;
	v3 =	vand.u32 $0xFFFFFF80, v3  }
0x8d: {  	v2 =	vor.u32 v2, v3  }
0x8e: {  	v2 =	vperm.xlane v2, v0;
	_ =	sdelay $0x1  }
0x8f: {  	v2 =	vadd.s32 v1, v2;
	_ =	sdelay $0x3  }
0x90: {  	s21 =	simm.s32 $0x10200  }
0x91: {  	[tilespmem:s21], [sflag:$0x5] =	stream.indirect_vreg.gather [hbm4b:s2+s3], $0x80, v2, vm0, $0xb8;
	[tilespmem:$0x18200] =	vst v63  }
0x92: {  	s24 =	simm.s32 $0x10A00  }
0x93: {  	[tilespmem:s24], [sflag:$0x5] =	stream.indirect_vreg.gather [hbm4b:s5+s3], $0x80, v2, vm0, $0xb8;
	[tilespmem:$0x18200] =	vst v63  }
0x94: {  	s30 =	simm.s32 $0x11200  }
0x95: {  	[tilespmem:s30], [sflag:$0x5] =	stream.indirect_vreg.gather [hbm4b:s6+s3], $0x80, v2, vm0, $0xb8;
	[tilespmem:$0x18200] =	vst v63  }
0x96: {  	s1 =	simm.s32 $0x11A00  }
0x97: {  	[tilespmem:s1], [sflag:$0x5] =	stream.indirect_vreg.gather [hbm4b:s7+s3], $0x80, v2, vm0, $0xb8;
	[tilespmem:$0x18200] =	vst v63  }
0x98: {  	s20 =	simm.s32 $0x12200  }
0x99: {  	[tilespmem:s20], [sflag:$0x5] =	stream.indirect_vreg.gather [hbm4b:s8+s3], $0x80, v2, vm0, $0xb8;
	[tilespmem:$0x18200] =	vst v63  }
0x9a: {  	s21 =	simm.s32 $0x12A00  }
0x9b: {  	[tilespmem:s21], [sflag:$0x5] =	stream.indirect_vreg.gather [hbm4b:s9+s3], $0x80, v2, vm0, $0xb8;
	[tilespmem:$0x18200] =	vst v63  }
0x9c: {  	s0 =	simm.s32 $0x0;
	s24 =	simm.s32 $0x13200  }
0x9d: {  	[tilespmem:s24], [sflag:$0x5] =	stream.indirect_vreg.gather [hbm4b:s10+s3], $0x80, v2, vm0, $0xb8;
	[tilespmem:$0x18200] =	vst v63  }
0x9e: {  	s30 =	simm.s32 $0x13A00;
	s1 =	simm.s32 $0x50;
	s20 =	simm.s32 $0x0  }
0x9f: {  	[tilespmem:s30], [sflag:$0x5] =	stream.indirect_vreg.gather [hbm4b:s11+s3], $0x80, v2, vm0, $0xb8;
	[tilespmem:$0x18200] =	vst v63  }
.LBB2_2:
0xa0: {  	p0 =	seq.s32 s20, $0x0  }
.Ltmp2:
0xa1: {  	_ = 	snop;
	(pc) =	sbr.rel @p0 .LBB2_5-.Ltmp2, $4  }
0xa2: {  	_ =	swait.ge [sflag:s23], $0x4000  }
0xa3: {  	[sflag:s23] =	ssyncset.done $0x0  }
0xa4: {  	s21 =	sadd.s32 s0, s16;
	s24 =	simm.s32 $0x200;
	[sflag:s23] =	ssyncadd.s32 $0xFFFFC000  }
0xa5: {  	[hbm4b:s21+s3] =	stream.linear.scatter [tilespmem:s24], [sflag:$0x7], $0x4000, $0x38;
	[tilespmem:$0x18200] =	vst v63  }
0xa6: {  	p0 =	seq.s32 s20, $0xA  }
.Ltmp3:
0xa7: {  	_ = 	snop;
	(pc) =	sbr.rel @p0 .LBB2_6-.Ltmp3, $1  }
0xa8: {  	_ =	sdelay $0x3  }
0xa9: {  	s21 =	simm.s32 $0xC  }
0xaa: {  	_ =	swait.ge [sflag:s21], $0x4000  }
0xab: {  	[sflag:s21] =	ssyncset.done $0x0  }
0xac: {  	[sflag:s21] =	ssyncadd.s32 $0xFFFFC000  }
.LBB2_5:
0xad: {  	v2 =	vld.msk [tilespmem:s1+$0xFFFFFFD8], $0xff;
	_ =	sdelay $0x4  }
0xae: {  	v3 =	vshll.u32 v2, $0x4  }
0xaf: {  	v2 =	vand.u32 $0x7, v2;
	v3 =	vand.u32 $0xFFFFFF80, v3  }
0xb0: {  	v2 =	vor.u32 v2, v3  }
0xb1: {  	v2 =	vperm.xlane v2, v0;
	_ =	sdelay $0x1  }
0xb2: {  	v2 =	vadd.s32 v1, v2;
	_ =	sdelay $0x3  }
0xb3: {  	s21 =	simm.s32 $0x14200  }
0xb4: {  	[tilespmem:s21], [sflag:$0x6] =	stream.indirect_vreg.gather [hbm4b:s2+s3], $0x80, v2, vm0, $0xb8;
	[tilespmem:$0x18200] =	vst v63  }
0xb5: {  	s30 =	simm.s32 $0x14A00  }
0xb6: {  	[tilespmem:s30], [sflag:$0x6] =	stream.indirect_vreg.gather [hbm4b:s5+s3], $0x80, v2, vm0, $0xb8;
	[tilespmem:$0x18200] =	vst v63  }
0xb7: {  	s24 =	simm.s32 $0x15200  }
0xb8: {  	[tilespmem:s24], [sflag:$0x6] =	stream.indirect_vreg.gather [hbm4b:s6+s3], $0x80, v2, vm0, $0xb8;
	[tilespmem:$0x18200] =	vst v63  }
0xb9: {  	s30 =	simm.s32 $0x15A00  }
0xba: {  	[tilespmem:s30], [sflag:$0x6] =	stream.indirect_vreg.gather [hbm4b:s7+s3], $0x80, v2, vm0, $0xb8;
	[tilespmem:$0x18200] =	vst v63  }
0xbb: {  	s24 =	simm.s32 $0x16200  }
0xbc: {  	[tilespmem:s24], [sflag:$0x6] =	stream.indirect_vreg.gather [hbm4b:s8+s3], $0x80, v2, vm0, $0xb8;
	[tilespmem:$0x18200] =	vst v63  }
0xbd: {  	s30 =	simm.s32 $0x16A00  }
0xbe: {  	[tilespmem:s30], [sflag:$0x6] =	stream.indirect_vreg.gather [hbm4b:s9+s3], $0x80, v2, vm0, $0xb8;
	[tilespmem:$0x18200] =	vst v63  }
0xbf: {  	s24 =	simm.s32 $0x17200  }
0xc0: {  	[tilespmem:s24], [sflag:$0x6] =	stream.indirect_vreg.gather [hbm4b:s10+s3], $0x80, v2, vm0, $0xb8;
	[tilespmem:$0x18200] =	vst v63  }
0xc1: {  	s30 =	simm.s32 $0x17A00  }
0xc2: {  	[tilespmem:s30], [sflag:$0x6] =	stream.indirect_vreg.gather [hbm4b:s11+s3], $0x80, v2, vm0, $0xb8;
	[tilespmem:$0x18200] =	vst v63  }
.LBB2_6:
0xc3: {  	_ =	swait.ge [sflag:s25], $0x4000  }
0xc4: {  	s21 =	sadd.s32 s0, s13;
	[sflag:s25] =	ssyncset.done $0x0  }
0xc5: {  	p0 =	seq.s32 s0, $0x1E000;
	s30 =	sadd.s32 $0x800, s21;
	[sflag:s25] =	ssyncadd.s32 $0xFFFFC000  }
0xc6: {  	[hbm4b:s30+s3] =	stream.linear.scatter [tilespmem:s28], [sflag:$0x8], $0x4000, $0x38;
	[tilespmem:$0x18200] =	vst v63  }
0xc7: {  	s30 =	simm.s32 @!p0 $0x7  }
0xc8: {  	_ =	swait.ge @!p0 [sflag:s30], $0x4000  }
0xc9: {  	[sflag:s30] =	ssyncset.done @!p0 $0x0  }
0xca: {  	[sflag:s30] =	ssyncadd.s32 @!p0 $0xFFFFC000  }
0xcb: {  	v2 =	vld.msk @!p0 [tilespmem:s1+$0xFFFFFFE0], $0xff;
	_ =	sdelay $0x4  }
0xcc: {  	v3 =	vshll.u32 @!p0 v2, $0x4  }
0xcd: {  	v4 =	vlaneseq.u32 @!p0;
	v2 =	vand.u32 @!p0 $0x7, v2;
	v3 =	vand.u32 @!p0 $0xFFFFFF80, v3  }
0xce: {  	v2 =	vor.u32 @!p0 v2, v3;
	v3 =	vand.u32 @!p0 $0x7, v4;
	v4 =	vshrl.u32 @!p0 v4, $0x3  }
0xcf: {  	v2 =	vperm.xlane @!p0 v2, v3;
	v3 =	vmul.u32 @!p0 $0x8, v4;
	_ =	sdelay $0x1  }
0xd0: {  	v2 =	vadd.s32 @!p0 v3, v2;
	_ =	sdelay $0x3  }
0xd1: {  	vm1 =	vmmov @!p0 $0xffff;
	s24 =	simm.s32 @!p0 $0x200;
	s30 =	simm.s32 @!p0 $0x0  }
0xd2: {  	[tilespmem:s24], [sflag:$0x1] =	stream.indirect_vreg.gather @!p0 [hbm4b:s2+s30], $0x80, v2, vm1, $0xb8;
	[tilespmem:$0x18200] =	vst v63  }
0xd3: {  	s24 =	simm.s32 @!p0 $0xA00  }
0xd4: {  	[tilespmem:s24], [sflag:$0x1] =	stream.indirect_vreg.gather @!p0 [hbm4b:s5+s30], $0x80, v2, vm1, $0xb8;
	[tilespmem:$0x18200] =	vst v63  }
0xd5: {  	s24 =	simm.s32 @!p0 $0x1200  }
0xd6: {  	[tilespmem:s24], [sflag:$0x1] =	stream.indirect_vreg.gather @!p0 [hbm4b:s6+s30], $0x80, v2, vm1, $0xb8;
	[tilespmem:$0x18200] =	vst v63  }
0xd7: {  	s24 =	simm.s32 @!p0 $0x1A00  }
0xd8: {  	[tilespmem:s24], [sflag:$0x1] =	stream.indirect_vreg.gather @!p0 [hbm4b:s7+s30], $0x80, v2, vm1, $0xb8;
	[tilespmem:$0x18200] =	vst v63  }
0xd9: {  	s24 =	simm.s32 @!p0 $0x2200  }
0xda: {  	[tilespmem:s24], [sflag:$0x1] =	stream.indirect_vreg.gather @!p0 [hbm4b:s8+s30], $0x80, v2, vm1, $0xb8;
	[tilespmem:$0x18200] =	vst v63  }
0xdb: {  	s24 =	simm.s32 @!p0 $0x2A00  }
0xdc: {  	[tilespmem:s24], [sflag:$0x1] =	stream.indirect_vreg.gather @!p0 [hbm4b:s9+s30], $0x80, v2, vm1, $0xb8;
	[tilespmem:$0x18200] =	vst v63  }
0xdd: {  	s24 =	simm.s32 @!p0 $0x3200  }
0xde: {  	[tilespmem:s24], [sflag:$0x1] =	stream.indirect_vreg.gather @!p0 [hbm4b:s10+s30], $0x80, v2, vm1, $0xb8;
	[tilespmem:$0x18200] =	vst v63  }
0xdf: {  	s24 =	simm.s32 @!p0 $0x3A00  }
0xe0: {  	[tilespmem:s24], [sflag:$0x1] =	stream.indirect_vreg.gather @!p0 [hbm4b:s11+s30], $0x80, v2, vm1, $0xb8;
	[tilespmem:$0x18200] =	vst v63  }
.Ltmp4:
0xe1: {  	_ = 	snop;
	(pc) =	sbr.rel @p0 .LBB2_8-.Ltmp4, $4  }
0xe2: {  	_ =	swait.ge [sflag:s26], $0x4000  }
0xe3: {  	[sflag:s26] =	ssyncset.done $0x0  }
0xe4: {  	s30 =	sadd.s32 s0, s15;
	[sflag:s26] =	ssyncadd.s32 $0xFFFFC000  }
0xe5: {  	[hbm4b:s30+s3] =	stream.linear.scatter [tilespmem:s22], [sflag:$0x9], $0x4000, $0x38;
	[tilespmem:$0x18200] =	vst v63  }
0xe6: {  	_ =	swait.ge [sflag:s4], $0x4000  }
0xe7: {  	[sflag:s4] =	ssyncset.done $0x0  }
0xe8: {  	[sflag:s4] =	ssyncadd.s32 $0xFFFFC000  }
0xe9: {  	v2 =	vld.msk [tilespmem:s1+$0xFFFFFFE8], $0xff;
	_ =	sdelay $0x4  }
0xea: {  	v3 =	vshll.u32 v2, $0x4  }
0xeb: {  	v2 =	vand.u32 $0x7, v2;
	v3 =	vand.u32 $0xFFFFFF80, v3  }
0xec: {  	v2 =	vor.u32 v2, v3  }
0xed: {  	v2 =	vperm.xlane v2, v0;
	_ =	sdelay $0x1  }
0xee: {  	v2 =	vadd.s32 v1, v2;
	_ =	sdelay $0x4  }
0xef: {  	[tilespmem:s28], [sflag:$0x2] =	stream.indirect_vreg.gather [hbm4b:s2+s3], $0x80, v2, vm0, $0xb8;
	[tilespmem:$0x18200] =	vst v63  }
0xf0: {  	s24 =	simm.s32 $0x4A00  }
0xf1: {  	[tilespmem:s24], [sflag:$0x2] =	stream.indirect_vreg.gather [hbm4b:s5+s3], $0x80, v2, vm0, $0xb8;
	[tilespmem:$0x18200] =	vst v63  }
0xf2: {  	s30 =	simm.s32 $0x5200  }
0xf3: {  	[tilespmem:s30], [sflag:$0x2] =	stream.indirect_vreg.gather [hbm4b:s6+s3], $0x80, v2, vm0, $0xb8;
	[tilespmem:$0x18200] =	vst v63  }
0xf4: {  	s30 =	simm.s32 $0x5A00  }
0xf5: {  	[tilespmem:s30], [sflag:$0x2] =	stream.indirect_vreg.gather [hbm4b:s7+s3], $0x80, v2, vm0, $0xb8;
	[tilespmem:$0x18200] =	vst v63  }
0xf6: {  	s30 =	simm.s32 $0x6200  }
0xf7: {  	[tilespmem:s30], [sflag:$0x2] =	stream.indirect_vreg.gather [hbm4b:s8+s3], $0x80, v2, vm0, $0xb8;
	[tilespmem:$0x18200] =	vst v63  }
0xf8: {  	s30 =	simm.s32 $0x6A00  }
0xf9: {  	[tilespmem:s30], [sflag:$0x2] =	stream.indirect_vreg.gather [hbm4b:s9+s3], $0x80, v2, vm0, $0xb8;
	[tilespmem:$0x18200] =	vst v63  }
0xfa: {  	s30 =	simm.s32 $0x7200  }
0xfb: {  	[tilespmem:s30], [sflag:$0x2] =	stream.indirect_vreg.gather [hbm4b:s10+s3], $0x80, v2, vm0, $0xb8;
	[tilespmem:$0x18200] =	vst v63  }
0xfc: {  	s30 =	simm.s32 $0x7A00  }
0xfd: {  	[tilespmem:s30], [sflag:$0x2] =	stream.indirect_vreg.gather [hbm4b:s11+s3], $0x80, v2, vm0, $0xb8;
	[tilespmem:$0x18200] =	vst v63  }
0xfe: {  	_ =	swait.ge [sflag:s14], $0x4000  }
0xff: {  	[sflag:s14] =	ssyncset.done $0x0  }
0x100: {  	s30 =	sadd.s32 $0x1800, s21;
	[sflag:s14] =	ssyncadd.s32 $0xFFFFC000  }
0x101: {  	[hbm4b:s30+s3] =	stream.linear.scatter [tilespmem:s18], [sflag:$0xA], $0x4000, $0x38;
	[tilespmem:$0x18200] =	vst v63  }
0x102: {  	_ =	swait.ge [sflag:s12], $0x4000  }
0x103: {  	[sflag:s12] =	ssyncset.done $0x0  }
0x104: {  	[sflag:s12] =	ssyncadd.s32 $0xFFFFC000  }
0x105: {  	v2 =	vld.msk [tilespmem:s1+$0xFFFFFFF0], $0xff;
	_ =	sdelay $0x4  }
0x106: {  	v3 =	vshll.u32 v2, $0x4  }
0x107: {  	v2 =	vand.u32 $0x7, v2;
	v3 =	vand.u32 $0xFFFFFF80, v3  }
0x108: {  	v2 =	vor.u32 v2, v3  }
0x109: {  	v2 =	vperm.xlane v2, v0;
	_ =	sdelay $0x1  }
0x10a: {  	v2 =	vadd.s32 v1, v2;
	_ =	sdelay $0x4  }
0x10b: {  	[tilespmem:s22], [sflag:$0x3] =	stream.indirect_vreg.gather [hbm4b:s2+s3], $0x80, v2, vm0, $0xb8;
	[tilespmem:$0x18200] =	vst v63  }
0x10c: {  	s30 =	simm.s32 $0x8A00  }
0x10d: {  	[tilespmem:s30], [sflag:$0x3] =	stream.indirect_vreg.gather [hbm4b:s5+s3], $0x80, v2, vm0, $0xb8;
	[tilespmem:$0x18200] =	vst v63  }
0x10e: {  	s30 =	simm.s32 $0x9200  }
0x10f: {  	[tilespmem:s30], [sflag:$0x3] =	stream.indirect_vreg.gather [hbm4b:s6+s3], $0x80, v2, vm0, $0xb8;
	[tilespmem:$0x18200] =	vst v63  }
0x110: {  	s30 =	simm.s32 $0x9A00  }
0x111: {  	[tilespmem:s30], [sflag:$0x3] =	stream.indirect_vreg.gather [hbm4b:s7+s3], $0x80, v2, vm0, $0xb8;
	[tilespmem:$0x18200] =	vst v63  }
0x112: {  	s30 =	simm.s32 $0xA200  }
0x113: {  	[tilespmem:s30], [sflag:$0x3] =	stream.indirect_vreg.gather [hbm4b:s8+s3], $0x80, v2, vm0, $0xb8;
	[tilespmem:$0x18200] =	vst v63  }
0x114: {  	s30 =	simm.s32 $0xAA00  }
0x115: {  	[tilespmem:s30], [sflag:$0x3] =	stream.indirect_vreg.gather [hbm4b:s9+s3], $0x80, v2, vm0, $0xb8;
	[tilespmem:$0x18200] =	vst v63  }
0x116: {  	s30 =	simm.s32 $0xB200  }
0x117: {  	[tilespmem:s30], [sflag:$0x3] =	stream.indirect_vreg.gather [hbm4b:s10+s3], $0x80, v2, vm0, $0xb8;
	[tilespmem:$0x18200] =	vst v63  }
0x118: {  	s30 =	simm.s32 $0xBA00  }
0x119: {  	[tilespmem:s30], [sflag:$0x3] =	stream.indirect_vreg.gather [hbm4b:s11+s3], $0x80, v2, vm0, $0xb8;
	[tilespmem:$0x18200] =	vst v63  }
0x11a: {  	_ =	swait.ge [sflag:s31], $0x4000  }
0x11b: {  	[sflag:s31] =	ssyncset.done $0x0  }
0x11c: {  	s24 =	sadd.s32 s0, s17;
	s30 =	simm.s32 $0x10200;
	[sflag:s31] =	ssyncadd.s32 $0xFFFFC000  }
0x11d: {  	[hbm4b:s24+s3] =	stream.linear.scatter [tilespmem:s30], [sflag:$0xB], $0x4000, $0x38;
	[tilespmem:$0x18200] =	vst v63  }
0x11e: {  	_ =	swait.ge [sflag:s29], $0x4000  }
0x11f: {  	[sflag:s29] =	ssyncset.done $0x0  }
0x120: {  	[sflag:s29] =	ssyncadd.s32 $0xFFFFC000  }
0x121: {  	v2 =	vld.msk [tilespmem:s1+$0xFFFFFFF8], $0xff;
	_ =	sdelay $0x4  }
0x122: {  	v3 =	vshll.u32 v2, $0x4  }
0x123: {  	v2 =	vand.u32 $0x7, v2;
	v3 =	vand.u32 $0xFFFFFF80, v3  }
0x124: {  	v2 =	vor.u32 v2, v3  }
0x125: {  	v2 =	vperm.xlane v2, v0;
	_ =	sdelay $0x1  }
0x126: {  	v2 =	vadd.s32 v1, v2;
	_ =	sdelay $0x4  }
0x127: {  	[tilespmem:s18], [sflag:$0x4] =	stream.indirect_vreg.gather [hbm4b:s2+s3], $0x80, v2, vm0, $0xb8;
	[tilespmem:$0x18200] =	vst v63  }
0x128: {  	s30 =	simm.s32 $0xCA00  }
0x129: {  	[tilespmem:s30], [sflag:$0x4] =	stream.indirect_vreg.gather [hbm4b:s5+s3], $0x80, v2, vm0, $0xb8;
	[tilespmem:$0x18200] =	vst v63  }
0x12a: {  	s30 =	simm.s32 $0xD200  }
0x12b: {  	[tilespmem:s30], [sflag:$0x4] =	stream.indirect_vreg.gather [hbm4b:s6+s3], $0x80, v2, vm0, $0xb8;
	[tilespmem:$0x18200] =	vst v63  }
0x12c: {  	s30 =	simm.s32 $0xDA00  }
0x12d: {  	[tilespmem:s30], [sflag:$0x4] =	stream.indirect_vreg.gather [hbm4b:s7+s3], $0x80, v2, vm0, $0xb8;
	[tilespmem:$0x18200] =	vst v63  }
0x12e: {  	s30 =	simm.s32 $0xE200  }
0x12f: {  	[tilespmem:s30], [sflag:$0x4] =	stream.indirect_vreg.gather [hbm4b:s8+s3], $0x80, v2, vm0, $0xb8;
	[tilespmem:$0x18200] =	vst v63  }
0x130: {  	s30 =	simm.s32 $0xEA00  }
0x131: {  	[tilespmem:s30], [sflag:$0x4] =	stream.indirect_vreg.gather [hbm4b:s9+s3], $0x80, v2, vm0, $0xb8;
	[tilespmem:$0x18200] =	vst v63  }
0x132: {  	s30 =	simm.s32 $0xF200  }
0x133: {  	[tilespmem:s30], [sflag:$0x4] =	stream.indirect_vreg.gather [hbm4b:s10+s3], $0x80, v2, vm0, $0xb8;
	[tilespmem:$0x18200] =	vst v63  }
0x134: {  	s30 =	simm.s32 $0xFA00  }
0x135: {  	[tilespmem:s30], [sflag:$0x4] =	stream.indirect_vreg.gather [hbm4b:s11+s3], $0x80, v2, vm0, $0xb8;
	[tilespmem:$0x18200] =	vst v63  }
0x136: {  	_ =	swait.ge [sflag:s19], $0x4000  }
0x137: {  	p0 =	sgt.u32 s20, $0x8;
	s24 =	sadd.s32 $0x2800, s21;
	[sflag:s19] =	ssyncset.done $0x0  }
0x138: {  	s21 =	simm.s32 @!p0 $0xB;
	s30 =	simm.s32 $0x14200;
	[sflag:s19] =	ssyncadd.s32 $0xFFFFC000  }
0x139: {  	[hbm4b:s24+s3] =	stream.linear.scatter [tilespmem:s30], [sflag:$0xC], $0x4000, $0x38;
	[tilespmem:$0x18200] =	vst v63  }
0x13a: {  	_ =	swait.ge @!p0 [sflag:s21], $0x4000  }
0x13b: {  	[sflag:s21] =	ssyncset.done @!p0 $0x0  }
0x13c: {  	[sflag:s21] =	ssyncadd.s32 @!p0 $0xFFFFC000  }
0x13d: {  	v2 =	vld.msk @!p0 [tilespmem:s1+$0x0], $0xff;
	_ =	sdelay $0x4  }
0x13e: {  	v3 =	vshll.u32 @!p0 v2, $0x4  }
0x13f: {  	v4 =	vlaneseq.u32 @!p0;
	v2 =	vand.u32 @!p0 $0x7, v2;
	v3 =	vand.u32 @!p0 $0xFFFFFF80, v3  }
0x140: {  	v2 =	vor.u32 @!p0 v2, v3;
	v3 =	vand.u32 @!p0 $0x7, v4;
	v4 =	vshrl.u32 @!p0 v4, $0x3  }
0x141: {  	v2 =	vperm.xlane @!p0 v2, v3;
	v3 =	vmul.u32 @!p0 $0x8, v4;
	_ =	sdelay $0x1  }
0x142: {  	v2 =	vadd.s32 @!p0 v3, v2;
	_ =	sdelay $0x3  }
0x143: {  	vm1 =	vmmov @!p0 $0xffff;
	s24 =	simm.s32 @!p0 $0x10200;
	s21 =	simm.s32 @!p0 $0x0  }
0x144: {  	[tilespmem:s24], [sflag:$0x5] =	stream.indirect_vreg.gather @!p0 [hbm4b:s2+s21], $0x80, v2, vm1, $0xb8;
	[tilespmem:$0x18200] =	vst v63  }
0x145: {  	s24 =	simm.s32 @!p0 $0x10A00  }
0x146: {  	[tilespmem:s24], [sflag:$0x5] =	stream.indirect_vreg.gather @!p0 [hbm4b:s5+s21], $0x80, v2, vm1, $0xb8;
	[tilespmem:$0x18200] =	vst v63  }
0x147: {  	s24 =	simm.s32 @!p0 $0x11200  }
0x148: {  	[tilespmem:s24], [sflag:$0x5] =	stream.indirect_vreg.gather @!p0 [hbm4b:s6+s21], $0x80, v2, vm1, $0xb8;
	[tilespmem:$0x18200] =	vst v63  }
0x149: {  	s24 =	simm.s32 @!p0 $0x11A00  }
0x14a: {  	[tilespmem:s24], [sflag:$0x5] =	stream.indirect_vreg.gather @!p0 [hbm4b:s7+s21], $0x80, v2, vm1, $0xb8;
	[tilespmem:$0x18200] =	vst v63  }
0x14b: {  	s24 =	simm.s32 @!p0 $0x12200  }
0x14c: {  	[tilespmem:s24], [sflag:$0x5] =	stream.indirect_vreg.gather @!p0 [hbm4b:s8+s21], $0x80, v2, vm1, $0xb8;
	[tilespmem:$0x18200] =	vst v63  }
0x14d: {  	s24 =	simm.s32 @!p0 $0x12A00  }
0x14e: {  	[tilespmem:s24], [sflag:$0x5] =	stream.indirect_vreg.gather @!p0 [hbm4b:s9+s21], $0x80, v2, vm1, $0xb8;
	[tilespmem:$0x18200] =	vst v63  }
0x14f: {  	s24 =	simm.s32 @!p0 $0x13200  }
0x150: {  	[tilespmem:s24], [sflag:$0x5] =	stream.indirect_vreg.gather @!p0 [hbm4b:s10+s21], $0x80, v2, vm1, $0xb8;
	[tilespmem:$0x18200] =	vst v63  }
0x151: {  	s0 =	sadd.s32 $0x3000, s0;
	s24 =	simm.s32 @!p0 $0x13A00  }
0x152: {  	[tilespmem:s24], [sflag:$0x5] =	stream.indirect_vreg.gather @!p0 [hbm4b:s11+s21], $0x80, v2, vm1, $0xb8;
	[tilespmem:$0x18200] =	vst v63  }
0x153: {  	p0 =	seq.s32 s0, $0x21000  }
.Ltmp5:
0x154: {  	_ = 	snop;
	(pc) =	sbr.rel @!p0 .LBB2_2-.Ltmp5, $4  }
.Ltmp6:
0x155: {  	_ = 	snop;
	(pc) =	sbr.rel @p0 .LBB2_9-.Ltmp6, $4  }
0x156: {  	_ = 	snop  }
0x157: {  	_ = 	snop  }
0x158: {  	s20 =	sadd.s32 $0x1, s20;
	s1 =	sadd.s32 $0x30, s1  }
0x159: {  	_ = 	snop  }
.LBB2_10:
0x15a: {  	_ =	sfence.sel $0x180000  }
0x15b: {  	[bflag:$0x0] =	sbarrier.arrive $0xFFFF  }
0x15c: {  	_ =	strace $0x90000047  }
0x15d: {  	s0 =	stileid.u32;
	[bflag:$0x2] =	sbarrier.arrive $0xFFFF  }
0x15e: {  	p0 =	sne.s32 s0, $0x0;
	s0 =	rddreg [dreg:$0x3]  }
0x15f: {  	s0 =	sadd.s32 @!p0 $0x100000, s0  }
0x160: {  	[sflag:s0] =	ssyncadd.tile.s32 @!p0 $0x1;
	_ =	shalt  }
.Lfunc_end2:
_tile_overlayer_lowered:
.L_overlay_start_2:
0x161: {  	(tag) =	ssettag $0x2  }
0x162: {  	s0 =	rddreg [dreg:$0x0];
	s2 =	stileid.u32  }
0x163: {  	s1 =	rddreg [dreg:$0x1];
	p0 =	sne.s32 s2, $0x0  }
0x164: {  	s3 =	rddreg [dreg:$0x2];
	[bflag:$0x3] =	sbarrier.arrive $0xFFFF;
	s2 =	simm.s32 @!p0 $0x1C0D  }
0x165: {  	[timem:s3], [sflag:s2] =	dma.local @!p0 [hbm:s0], s1  }
0x166: {  	s0 =	simm.s32 @!p0 $0xD  }
0x167: {  	_ =	swait.ge @!p0 [sflag:s0], s1  }
0x168: {  	s1 =	ssub.s32 @!p0 $0x0, s1;
	[sflag:s0] =	ssyncset.done @!p0 $0x0  }
0x169: {  	[sflag:s0] =	ssyncadd.s32 @!p0 s1  }
0x16a: {  	[bflag:$0x3] =	sbarrier.arrive $0xFFFF  }
0x16b: {  	_ =	shalt  }

</sc_bundles>
